<compile_context>
chip_gen: v7x
topology: tpu7x:2x2x1
jax: 0.10.2.dev20260603
libtpu: 0.0.44.dev20260713+nightly
codegen_flags: <defaults>
</compile_context>

<pallas_src>
import jax
import jax.numpy as jnp
from jax.experimental import pallas as pl
from jax.experimental.pallas import tpu as pltpu

B, N, D = 32, 196, 768
POOL, C, IMG, P = 512, 3, 224, 16
NP_SIDE = IMG // P
NP = NP_SIDE * NP_SIDE
GB = 8
GSTEPS = B // GB


def _sim_kernel(xt_ref, pk_ref, finv_ref, sim_ref, idx_ref, rs_ref):
    xm = jnp.mean(xt_ref[...], axis=0)
    xn = xm * jax.lax.rsqrt(jnp.maximum(jnp.sum(xm * xm, axis=1, keepdims=True), 1e-12))
    pk = pk_ref[...]
    pkn = pk * jax.lax.rsqrt(jnp.maximum(jnp.sum(pk * pk, axis=1, keepdims=True), 1e-12))
    dots = jax.lax.dot_general(xn, pkn, (((1,), (1,)), ((), ())),
                               preferred_element_type=jnp.float32)
    sim = dots * finv_ref[...]
    sim_ref[...] = sim
    idx = jnp.argmax(sim, axis=1)
    idx_ref[...] = idx[:, None].astype(jnp.int32)
    onehot = (jax.lax.broadcasted_iota(jnp.int32, sim.shape, 1) == idx[:, None])
    rs = jnp.sum(jnp.where(onehot, dots, 0.0)) / B
    rs_ref[...] = jnp.full((1, 1), rs, jnp.float32)


def _gather_copies(pool_ref, idx_ref, buf_ref, sem_ref, step, slot):
    copies = []
    for k in range(GB):
        copies.append(pltpu.make_async_copy(
            pool_ref.at[idx_ref[step * GB + k]],
            buf_ref.at[slot, k],
            sem_ref.at[slot, k],
        ))
    return copies


def _embed_kernel(idx_ref, x_ref, w_ref, b_ref, pool_ref, out_ref,
                  buf_ref, sem_ref):
    g = pl.program_id(0)

    @pl.when(g == 0)
    def _():
        for cp in _gather_copies(pool_ref, idx_ref, buf_ref, sem_ref, 0, 0):
            cp.start()

    @pl.when(g + 1 < GSTEPS)
    def _():
        for cp in _gather_copies(pool_ref, idx_ref, buf_ref, sem_ref,
                                 g + 1, (g + 1) % 2):
            cp.start()

    for cp in _gather_copies(pool_ref, idx_ref, buf_ref, sem_ref, g, g % 2):
        cp.wait()

    patches = buf_ref[g % 2].reshape(GB * NP, D)
    acc = jax.lax.dot_general(
        patches, w_ref[...], (((1,), (0,)), ((), ())),
        preferred_element_type=jnp.float32)
    acc = acc + b_ref[...]
    out_ref[:, :NP, :] = acc.reshape(GB, NP, D)
    out_ref[:, NP:, :] = x_ref[...]


@jax.jit
def kernel(x_embed, prompt, prompt_key, frequency, W_patch, b_patch):
    finv = (1.0 / frequency).reshape(1, POOL)
    x_t = jnp.transpose(x_embed, (1, 0, 2))
    sim, idx, rs = pl.pallas_call(
        _sim_kernel,
        in_specs=[
            pl.BlockSpec((N, B, D), lambda: (0, 0, 0)),
            pl.BlockSpec((POOL, D), lambda: (0, 0)),
            pl.BlockSpec((1, POOL), lambda: (0, 0)),
        ],
        out_specs=[
            pl.BlockSpec((B, POOL), lambda: (0, 0)),
            pl.BlockSpec((B, 1), lambda: (0, 0)),
            pl.BlockSpec((1, 1), lambda: (0, 0)),
        ],
        out_shape=[
            jax.ShapeDtypeStruct((B, POOL), jnp.float32),
            jax.ShapeDtypeStruct((B, 1), jnp.int32),
            jax.ShapeDtypeStruct((1, 1), jnp.float32),
        ],
    )(x_t, prompt_key, finv)

    pool2 = jnp.transpose(
        prompt.astype(jnp.bfloat16).reshape(POOL, C, NP_SIDE, P, NP_SIDE, P),
        (0, 2, 4, 1, 3, 5)).reshape(POOL, NP, D)
    w3 = W_patch.astype(jnp.bfloat16)
    b2 = b_patch.reshape(1, D)

    out = pl.pallas_call(
        _embed_kernel,
        grid_spec=pltpu.PrefetchScalarGridSpec(
            num_scalar_prefetch=1,
            grid=(GSTEPS,),
            in_specs=[
                pl.BlockSpec((GB, N, D), lambda g, idx: (g, 0, 0)),
                pl.BlockSpec((D, D), lambda g, idx: (0, 0)),
                pl.BlockSpec((1, D), lambda g, idx: (0, 0)),
                pl.BlockSpec(memory_space=pl.ANY),
            ],
            out_specs=pl.BlockSpec((GB, 2 * N, D), lambda g, idx: (g, 0, 0)),
            scratch_shapes=[
                pltpu.VMEM((2, GB, NP, D), jnp.bfloat16),
                pltpu.SemaphoreType.DMA((2, GB)),
            ],
        ),
        out_shape=jax.ShapeDtypeStruct((B, 2 * N, D), jnp.float32),
    )(idx.reshape(B), x_embed, w3, b2, pool2)

    return out, rs[0, 0], sim, idx

# --- scband reference (transcript-rebuilt; emitter-appended) ---
"""Pipeline reference for scband-patch-embed-prompt-single-63041529971077 (READ-ONLY COPY).

The authoritative reference and input builder live on the scoring server;
editing this copy changes nothing except your own understanding.
"""

import jax, jax.numpy as jnp
import numpy as np

B, N, D = 32, 196, 768
POOL, C, IMG, P = 512, 3, 224, 16
NP_SIDE = IMG // P  # 14


def setup_inputs(seed: int = 0) -> dict:
    key = jax.random.key(seed)
    k1, k2, k3, k4 = jax.random.split(key, 4)
    x_embed = jax.random.normal(k1, (B, N, D), dtype=jnp.float32)
    # initial_prompt: pool of prompt images, stored at img_size so Resize(img_size) is identity
    prompt = jax.random.normal(k2, (POOL, C, IMG, IMG), dtype=jnp.float32)
    # prompt_key_init == 'uniform' -> uniform(-1, 1)
    prompt_key = jax.random.uniform(k3, (POOL, D), minval=-1.0, maxval=1.0, dtype=jnp.float32)
    frequency = jnp.ones((POOL,), dtype=jnp.float32)
    # patch_embed: 16x16 non-overlapping patch projection (ViT-style PatchEmbed)
    W_patch = jax.random.normal(k4, (C * P * P, D), dtype=jnp.float32) * 0.02
    b_patch = jnp.zeros((D,), dtype=jnp.float32)
    return {"x_embed": x_embed, "prompt": prompt, "prompt_key": prompt_key,
            "frequency": frequency, "W_patch": W_patch, "b_patch": b_patch}


def l2_normalize(x, axis):
    square_sum = jnp.sum(x * x, axis=axis, keepdims=True)
    x_inv_norm = jax.lax.rsqrt(jnp.maximum(square_sum, 1e-12))
    return x * x_inv_norm


def patch_embed_fn(imgs, W, b):
    # imgs: [n, C, IMG, IMG] -> [n, num_patches, D]
    n = imgs.shape[0]
    x = imgs.reshape(n, C, NP_SIDE, P, NP_SIDE, P)
    x = jnp.transpose(x, (0, 2, 4, 1, 3, 5)).reshape(n, NP_SIDE * NP_SIDE, C * P * P)
    return x @ W + b


def reference(x_embed, prompt, prompt_key, frequency, W_patch, b_patch):
    # embedding_key == 'mean'
    x_embed_mean = jnp.mean(x_embed, axis=1)  # [B, D]
    # compute_similarity (L2P-style, frequency-penalized since flag is True)
    prompt_norm = l2_normalize(prompt_key, axis=1)      # [POOL, D]
    x_embed_norm = l2_normalize(x_embed_mean, axis=1)   # [B, D]
    similarity = (x_embed_norm @ prompt_norm.T) / frequency[None, :]  # [B, POOL]
    # prompt_mask is None -> top-k selection (top_k = 1, batchwise_prompt = False)
    _, idx = jax.lax.top_k(similarity, 1)  # [B, 1]
    # gather prompt images from the pool (large memory-bound gather)
    batched_prompt_raw = jnp.take(prompt, idx, axis=0)  # [B, 1, C, IMG, IMG]
    imgs = batched_prompt_raw.reshape(B * 1, C, IMG, IMG)
    # Resize(img_size) is identity (prompts already img_size); per-sample patch_embed then cat(dim=0)
    batched_prompt = patch_embed_fn(imgs, W_patch, b_patch)  # [B, 196, D]
    batched_key_norm = jnp.take(prompt_norm, idx, axis=0)    # [B, 1, D]
    sim = batched_key_norm * x_embed_norm[:, None, :]
    reduce_sim = jnp.sum(sim) / x_embed.shape[0]
    prompted_embedding = jnp.concatenate([batched_prompt, x_embed], axis=1)  # [B, 392, D]
    return prompted_embedding, reduce_sim, similarity, idx

if __name__ == "__main__":
    import jax
    _d = setup_inputs()
    print(jax.jit(kernel)(*tuple(_d.values())))

</pallas_src>

<mosaic_0001>
module attributes {stable_mosaic.version = 14 : i64} {
  func.func @_sim_kernel(%arg0: memref<196x32x768xf32, #tpu.memory_space<vmem>>, %arg1: memref<512x768xf32, #tpu.memory_space<vmem>>, %arg2: memref<1x512xf32, #tpu.memory_space<vmem>>, %arg3: memref<32x512xf32, #tpu.memory_space<vmem>>, %arg4: memref<32x1xi32, #tpu.memory_space<vmem>>, %arg5: memref<1x1xf32, #tpu.memory_space<vmem>>) attributes {dimension_semantics = [], scalar_prefetch = 0 : i64, scratch_operands = 0 : i64, tpu.core_type = #tpu.core_type<tc>} {
    %get3A = arith.constant 0 : index
    %get3A_0 = arith.constant 0 : index
    %get3A_1 = arith.constant 0 : index
    %get3A_2 = vector.load %arg0[%get3A, %get3A_0, %get3A_1] : memref<196x32x768xf32, #tpu.memory_space<vmem>>, vector<196x32x768xf32>
    %reduce_sum3A = arith.constant dense<0.000000e+00> : vector<32x768xf32>
    %reduce_sum3A_3 = vector.multi_reduction <add>, %get3A_2, %reduce_sum3A [0] : vector<196x32x768xf32> to vector<32x768xf32>
    %div3A = arith.constant 1.960000e+02 : f32
    %div3A_4 = vector.broadcast %div3A : f32 to vector<32x768xf32>
    %div3A_5 = arith.divf %reduce_sum3A_3, %div3A_4 : vector<32x768xf32>
    %mul3A = arith.mulf %div3A_5, %div3A_5 : vector<32x768xf32>
    %reduce_sum3A_6 = arith.constant dense<0.000000e+00> : vector<32xf32>
    %reduce_sum3A_7 = vector.multi_reduction <add>, %mul3A, %reduce_sum3A_6 [1] : vector<32x768xf32> to vector<32xf32>
    %broadcast_in_dim3A = vector.shape_cast %reduce_sum3A_7 : vector<32xf32> to vector<32x1xf32>
    %max3A = arith.constant 9.99999996E-13 : f32
    %max3A_8 = vector.broadcast %max3A : f32 to vector<32x1xf32>
    %max3A_9 = arith.maximumf %broadcast_in_dim3A, %max3A_8 : vector<32x1xf32>
    %rsqrt3A = math.rsqrt %max3A_9 : vector<32x1xf32>
    %mul3A_10 = vector.broadcast %rsqrt3A : vector<32x1xf32> to vector<32x768xf32>
    %mul3A_11 = arith.mulf %div3A_5, %mul3A_10 : vector<32x768xf32>
    %get3A_12 = arith.constant 0 : index
    %get3A_13 = arith.constant 0 : index
    %get3A_14 = vector.load %arg1[%get3A_12, %get3A_13] : memref<512x768xf32, #tpu.memory_space<vmem>>, vector<512x768xf32>
    %mul3A_15 = arith.mulf %get3A_14, %get3A_14 : vector<512x768xf32>
    %reduce_sum3A_16 = arith.constant dense<0.000000e+00> : vector<512xf32>
    %reduce_sum3A_17 = vector.multi_reduction <add>, %mul3A_15, %reduce_sum3A_16 [1] : vector<512x768xf32> to vector<512xf32>
    %broadcast_in_dim3A_18 = vector.shape_cast %reduce_sum3A_17 : vector<512xf32> to vector<512x1xf32>
    %max3A_19 = arith.constant 9.99999996E-13 : f32
    %max3A_20 = vector.broadcast %max3A_19 : f32 to vector<512x1xf32>
    %max3A_21 = arith.maximumf %broadcast_in_dim3A_18, %max3A_20 : vector<512x1xf32>
    %rsqrt3A_22 = math.rsqrt %max3A_21 : vector<512x1xf32>
    %mul3A_23 = vector.broadcast %rsqrt3A_22 : vector<512x1xf32> to vector<512x768xf32>
    %mul3A_24 = arith.mulf %get3A_14, %mul3A_23 : vector<512x768xf32>
    %dot_general3A = arith.constant dense<0.000000e+00> : vector<32x512xf32>
    %dot_general3A_25 = tpu.matmul %mul3A_11, %mul3A_24, %dot_general3A {dimension_numbers = #tpu.dot_dimension_numbers<[1], [1], [0], [0], [0, 0, 1, 0], [], []>, transpose_lhs_hint = false} : vector<32x768xf32>, vector<512x768xf32>, vector<32x512xf32> -> vector<32x512xf32>
    %get3A_26 = arith.constant 0 : index
    %get3A_27 = arith.constant 0 : index
    %get3A_28 = vector.load %arg2[%get3A_26, %get3A_27] : memref<1x512xf32, #tpu.memory_space<vmem>>, vector<1x512xf32>
    %mul3A_29 = vector.broadcast %get3A_28 : vector<1x512xf32> to vector<32x512xf32>
    %mul3A_30 = arith.mulf %dot_general3A_25, %mul3A_29 : vector<32x512xf32>
    %swap3A = arith.constant 0 : index
    %swap3A_31 = arith.constant 0 : index
    %swap3A_32 = vector.load %arg3[%swap3A, %swap3A_31] : memref<32x512xf32, #tpu.memory_space<vmem>>, vector<32x512xf32>
    tpu.vector_store %arg3[%swap3A, %swap3A_31], %mul3A_30 {strides = array<i32>} : memref<32x512xf32, #tpu.memory_space<vmem>>, vector<32x512xf32>,
    %argmax3A = tpu.reduce_index %mul3A_30 {axis = 1 : i32, kind = #tpu.reduction_kind<arg_max>} : vector<32x512xf32> -> vector<32xi32>
    %broadcast_in_dim3A_33 = vector.shape_cast %argmax3A : vector<32xi32> to vector<32x1xi32>
    %swap3A_34 = arith.constant 0 : index
    %swap3A_35 = arith.constant 0 : index
    %swap3A_36 = vector.load %arg4[%swap3A_34, %swap3A_35] : memref<32x1xi32, #tpu.memory_space<vmem>>, vector<32x1xi32>
    tpu.vector_store %arg4[%swap3A_34, %swap3A_35], %broadcast_in_dim3A_33 {strides = array<i32>} : memref<32x1xi32, #tpu.memory_space<vmem>>, vector<32x1xi32>,
    %iota3A = tpu.iota {dimensions = array<i32: 1>} : vector<32x512xi32>
    %broadcast_in_dim3A_37 = vector.shape_cast %argmax3A : vector<32xi32> to vector<32x1xi32>
    %eq3A = vector.broadcast %broadcast_in_dim3A_37 : vector<32x1xi32> to vector<32x512xi32>
    %eq3A_38 = arith.cmpi eq, %iota3A, %eq3A : vector<32x512xi32>
    %jit3A = arith.constant 0.000000e+00 : f32
    %broadcast_in_dim3A_39 = vector.broadcast %jit3A : f32 to vector<32x512xf32>
    %select_n3A = arith.select %eq3A_38, %dot_general3A_25, %broadcast_in_dim3A_39 : vector<32x512xi1>, vector<32x512xf32>
    %reduce_sum3A_40 = vector.shape_cast %select_n3A : vector<32x512xf32> to vector<1x32x512xf32>
    %reduce_sum3A_41 = arith.constant dense<0.000000e+00> : vector<1xf32>
    %reduce_sum3A_42 = vector.multi_reduction <add>, %reduce_sum3A_40, %reduce_sum3A_41 [1, 2] : vector<1x32x512xf32> to vector<1xf32>
    %reduce_sum3A_43 = vector.shape_cast %reduce_sum3A_42 : vector<1xf32> to vector<1x1x1xf32>
    %reduce_sum3A_44 = vector.extract %reduce_sum3A_43[0, 0, 0] : f32 from vector<1x1x1xf32>
    %div3A_45 = arith.constant 3.200000e+01 : f32
    %div3A_46 = arith.divf %reduce_sum3A_44, %div3A_45 : f32
    %broadcast_in_dim3A_47 = vector.broadcast %div3A_46 : f32 to vector<1x1xf32>
    %swap3A_48 = arith.constant 0 : index
    %swap3A_49 = arith.constant 0 : index
    %swap3A_50 = vector.load %arg5[%swap3A_48, %swap3A_49] : memref<1x1xf32, #tpu.memory_space<vmem>>, vector<1x1xf32>
    tpu.vector_store %arg5[%swap3A_48, %swap3A_49], %broadcast_in_dim3A_47 {strides = array<i32>} : memref<1x1xf32, #tpu.memory_space<vmem>>, vector<1x1xf32>,
    return
  }
}

module attributes {stable_mosaic.version = 14 : i64} {
  func.func @_embed_kernel(%arg0: i32, %arg1: memref<32xi32, #tpu.memory_space<smem>>, %arg2: memref<8x196x768xf32, #tpu.memory_space<vmem>>, %arg3: memref<768x768xbf16, #tpu.memory_space<vmem>>, %arg4: memref<1x768xf32, #tpu.memory_space<vmem>>, %arg5: memref<512x196x768xbf16, #tpu.memory_space<any>>, %arg6: memref<8x392x768xf32, #tpu.memory_space<vmem>>, %arg7: memref<2x8x196x768xbf16, #tpu.memory_space<vmem>>, %arg8: memref<2x8x!tpu.dma_semaphore, #tpu.memory_space<semaphore_mem>>) attributes {dimension_semantics = [#tpu.dimension_semantics<arbitrary>], iteration_bounds = array<i64: 4>, scalar_prefetch = 1 : i64, scratch_operands = 2 : i64, tpu.core_type = #tpu.core_type<tc>, window_params = [{transform_indices = @transform_0, window_bounds = array<i64: 8, 196, 768>}, {pipeline_mode = #tpu.pipeline_mode<synchronous>, transform_indices = @transform_1, window_bounds = array<i64: 768, 768>}, {pipeline_mode = #tpu.pipeline_mode<synchronous>, transform_indices = @transform_2, window_bounds = array<i64: 1, 768>}, {}, {transform_indices = @transform_4, window_bounds = array<i64: 8, 392, 768>}]} {
    %eq3A = arith.constant 0 : i32
    %eq3A_0 = arith.cmpi eq, %arg0, %eq3A : i32
    %convert_element_type3A = arith.extui %eq3A_0 : i1 to i32
    %cond3A = arith.constant 0 : i32
    %cond3A_1 = arith.cmpi ne, %convert_element_type3A, %cond3A : i32
    scf.if %cond3A_1 {
      %get3A_202 = arith.constant 0 : index
      %get3A_203 = memref.load %arg1[%get3A_202] : memref<32xi32, #tpu.memory_space<smem>>
      %get3A_204 = arith.constant 1 : index
      %get3A_205 = memref.load %arg1[%get3A_204] : memref<32xi32, #tpu.memory_space<smem>>
      %get3A_206 = arith.constant 2 : index
      %get3A_207 = memref.load %arg1[%get3A_206] : memref<32xi32, #tpu.memory_space<smem>>
      %get3A_208 = arith.constant 3 : index
      %get3A_209 = memref.load %arg1[%get3A_208] : memref<32xi32, #tpu.memory_space<smem>>
      %get3A_210 = arith.constant 4 : index
      %get3A_211 = memref.load %arg1[%get3A_210] : memref<32xi32, #tpu.memory_space<smem>>
      %get3A_212 = arith.constant 5 : index
      %get3A_213 = memref.load %arg1[%get3A_212] : memref<32xi32, #tpu.memory_space<smem>>
      %get3A_214 = arith.constant 6 : index
      %get3A_215 = memref.load %arg1[%get3A_214] : memref<32xi32, #tpu.memory_space<smem>>
      %get3A_216 = arith.constant 7 : index
      %get3A_217 = memref.load %arg1[%get3A_216] : memref<32xi32, #tpu.memory_space<smem>>
      %dma_start3A = arith.constant 0 : i32
      %dma_start3A_218 = arith.constant 0 : i32
      %dma_start3A_219 = arith.constant 0 : i32
      %dma_start3A_220 = arith.constant 0 : i32
      %dma_start3A_221 = tpu.memref_slice %arg8[%dma_start3A_219, %dma_start3A_220] : memref<2x8x!tpu.dma_semaphore, #tpu.memory_space<semaphore_mem>> -> memref<1x1x!tpu.dma_semaphore, #tpu.memory_space<semaphore_mem>>
      %dma_start3A_222 = tpu.memref_squeeze %dma_start3A_221 : memref<1x1x!tpu.dma_semaphore, #tpu.memory_space<semaphore_mem>> -> memref<!tpu.dma_semaphore, #tpu.memory_space<semaphore_mem>>
      %dma_start3A_223 = arith.constant 0 : i32
      %dma_start3A_224 = arith.constant 0 : i32
      %dma_start3A_225 = tpu.memref_slice %arg7[%dma_start3A, %dma_start3A_218, %dma_start3A_223, %dma_start3A_224] : memref<2x8x196x768xbf16, #tpu.memory_space<vmem>> -> memref<1x1x196x768xbf16, #tpu.memory_space<vmem>>
      %dma_start3A_226 = tpu.memref_squeeze %dma_start3A_225 : memref<1x1x196x768xbf16, #tpu.memory_space<vmem>> -> memref<196x768xbf16, #tpu.memory_space<vmem>>
      %dma_start3A_227 = arith.constant 0 : i32
      %dma_start3A_228 = arith.constant 0 : i32
      %dma_start3A_229 = tpu.memref_slice %arg5[%get3A_203, %dma_start3A_227, %dma_start3A_228] : memref<512x196x768xbf16, #tpu.memory_space<any>> -> memref<1x196x768xbf16, #tpu.memory_space<any>>
      %dma_start3A_230 = tpu.memref_squeeze %dma_start3A_229 : memref<1x196x768xbf16, #tpu.memory_space<any>> -> memref<196x768xbf16, #tpu.memory_space<any>>
      tpu.enqueue_dma source(%dma_start3A_230 : memref<196x768xbf16, #tpu.memory_space<any>>) target(%dma_start3A_226 : memref<196x768xbf16, #tpu.memory_space<vmem>>) target_semaphore(%dma_start3A_222 : memref<!tpu.dma_semaphore, #tpu.memory_space<semaphore_mem>>)
      %dma_start3A_231 = arith.constant 0 : i32
      %dma_start3A_232 = arith.constant 1 : i32
      %dma_start3A_233 = arith.constant 0 : i32
      %dma_start3A_234 = arith.constant 1 : i32
      %dma_start3A_235 = tpu.memref_slice %arg8[%dma_start3A_233, %dma_start3A_234] : memref<2x8x!tpu.dma_semaphore, #tpu.memory_space<semaphore_mem>> -> memref<1x1x!tpu.dma_semaphore, #tpu.memory_space<semaphore_mem>>
      %dma_start3A_236 = tpu.memref_squeeze %dma_start3A_235 : memref<1x1x!tpu.dma_semaphore, #tpu.memory_space<semaphore_mem>> -> memref<!tpu.dma_semaphore, #tpu.memory_space<semaphore_mem>>
      %dma_start3A_237 = arith.constant 0 : i32
      %dma_start3A_238 = arith.constant 0 : i32
      %dma_start3A_239 = tpu.memref_slice %arg7[%dma_start3A_231, %dma_start3A_232, %dma_start3A_237, %dma_start3A_238] : memref<2x8x196x768xbf16, #tpu.memory_space<vmem>> -> memref<1x1x196x768xbf16, #tpu.memory_space<vmem>>
      %dma_start3A_240 = tpu.memref_squeeze %dma_start3A_239 : memref<1x1x196x768xbf16, #tpu.memory_space<vmem>> -> memref<196x768xbf16, #tpu.memory_space<vmem>>
      %dma_start3A_241 = arith.constant 0 : i32
      %dma_start3A_242 = arith.constant 0 : i32
      %dma_start3A_243 = tpu.memref_slice %arg5[%get3A_205, %dma_start3A_241, %dma_start3A_242] : memref<512x196x768xbf16, #tpu.memory_space<any>> -> memref<1x196x768xbf16, #tpu.memory_space<any>>
      %dma_start3A_244 = tpu.memref_squeeze %dma_start3A_243 : memref<1x196x768xbf16, #tpu.memory_space<any>> -> memref<196x768xbf16, #tpu.memory_space<any>>
      tpu.enqueue_dma source(%dma_start3A_244 : memref<196x768xbf16, #tpu.memory_space<any>>) target(%dma_start3A_240 : memref<196x768xbf16, #tpu.memory_space<vmem>>) target_semaphore(%dma_start3A_236 : memref<!tpu.dma_semaphore, #tpu.memory_space<semaphore_mem>>)
      %dma_start3A_245 = arith.constant 0 : i32
      %dma_start3A_246 = arith.constant 2 : i32
      %dma_start3A_247 = arith.constant 0 : i32
      %dma_start3A_248 = arith.constant 2 : i32
      %dma_start3A_249 = tpu.memref_slice %arg8[%dma_start3A_247, %dma_start3A_248] : memref<2x8x!tpu.dma_semaphore, #tpu.memory_space<semaphore_mem>> -> memref<1x1x!tpu.dma_semaphore, #tpu.memory_space<semaphore_mem>>
      %dma_start3A_250 = tpu.memref_squeeze %dma_start3A_249 : memref<1x1x!tpu.dma_semaphore, #tpu.memory_space<semaphore_mem>> -> memref<!tpu.dma_semaphore, #tpu.memory_space<semaphore_mem>>
      %dma_start3A_251 = arith.constant 0 : i32
      %dma_start3A_252 = arith.constant 0 : i32
      %dma_start3A_253 = tpu.memref_slice %arg7[%dma_start3A_245, %dma_start3A_246, %dma_start3A_251, %dma_start3A_252] : memref<2x8x196x768xbf16, #tpu.memory_space<vmem>> -> memref<1x1x196x768xbf16, #tpu.memory_space<vmem>>
      %dma_start3A_254 = tpu.memref_squeeze %dma_start3A_253 : memref<1x1x196x768xbf16, #tpu.memory_space<vmem>> -> memref<196x768xbf16, #tpu.memory_space<vmem>>
      %dma_start3A_255 = arith.constant 0 : i32
      %dma_start3A_256 = arith.constant 0 : i32
      %dma_start3A_257 = tpu.memref_slice %arg5[%get3A_207, %dma_start3A_255, %dma_start3A_256] : memref<512x196x768xbf16, #tpu.memory_space<any>> -> memref<1x196x768xbf16, #tpu.memory_space<any>>
      %dma_start3A_258 = tpu.memref_squeeze %dma_start3A_257 : memref<1x196x768xbf16, #tpu.memory_space<any>> -> memref<196x768xbf16, #tpu.memory_space<any>>
      tpu.enqueue_dma source(%dma_start3A_258 : memref<196x768xbf16, #tpu.memory_space<any>>) target(%dma_start3A_254 : memref<196x768xbf16, #tpu.memory_space<vmem>>) target_semaphore(%dma_start3A_250 : memref<!tpu.dma_semaphore, #tpu.memory_space<semaphore_mem>>)
      %dma_start3A_259 = arith.constant 0 : i32
      %dma_start3A_260 = arith.constant 3 : i32
      %dma_start3A_261 = arith.constant 0 : i32
      %dma_start3A_262 = arith.constant 3 : i32
      %dma_start3A_263 = tpu.memref_slice %arg8[%dma_start3A_261, %dma_start3A_262] : memref<2x8x!tpu.dma_semaphore, #tpu.memory_space<semaphore_mem>> -> memref<1x1x!tpu.dma_semaphore, #tpu.memory_space<semaphore_mem>>
      %dma_start3A_264 = tpu.memref_squeeze %dma_start3A_263 : memref<1x1x!tpu.dma_semaphore, #tpu.memory_space<semaphore_mem>> -> memref<!tpu.dma_semaphore, #tpu.memory_space<semaphore_mem>>
      %dma_start3A_265 = arith.constant 0 : i32
      %dma_start3A_266 = arith.constant 0 : i32
      %dma_start3A_267 = tpu.memref_slice %arg7[%dma_start3A_259, %dma_start3A_260, %dma_start3A_265, %dma_start3A_266] : memref<2x8x196x768xbf16, #tpu.memory_space<vmem>> -> memref<1x1x196x768xbf16, #tpu.memory_space<vmem>>
      %dma_start3A_268 = tpu.memref_squeeze %dma_start3A_267 : memref<1x1x196x768xbf16, #tpu.memory_space<vmem>> -> memref<196x768xbf16, #tpu.memory_space<vmem>>
      %dma_start3A_269 = arith.constant 0 : i32
      %dma_start3A_270 = arith.constant 0 : i32
      %dma_start3A_271 = tpu.memref_slice %arg5[%get3A_209, %dma_start3A_269, %dma_start3A_270] : memref<512x196x768xbf16, #tpu.memory_space<any>> -> memref<1x196x768xbf16, #tpu.memory_space<any>>
      %dma_start3A_272 = tpu.memref_squeeze %dma_start3A_271 : memref<1x196x768xbf16, #tpu.memory_space<any>> -> memref<196x768xbf16, #tpu.memory_space<any>>
      tpu.enqueue_dma source(%dma_start3A_272 : memref<196x768xbf16, #tpu.memory_space<any>>) target(%dma_start3A_268 : memref<196x768xbf16, #tpu.memory_space<vmem>>) target_semaphore(%dma_start3A_264 : memref<!tpu.dma_semaphore, #tpu.memory_space<semaphore_mem>>)
      %dma_start3A_273 = arith.constant 0 : i32
      %dma_start3A_274 = arith.constant 4 : i32
      %dma_start3A_275 = arith.constant 0 : i32
      %dma_start3A_276 = arith.constant 4 : i32
      %dma_start3A_277 = tpu.memref_slice %arg8[%dma_start3A_275, %dma_start3A_276] : memref<2x8x!tpu.dma_semaphore, #tpu.memory_space<semaphore_mem>> -> memref<1x1x!tpu.dma_semaphore, #tpu.memory_space<semaphore_mem>>
      %dma_start3A_278 = tpu.memref_squeeze %dma_start3A_277 : memref<1x1x!tpu.dma_semaphore, #tpu.memory_space<semaphore_mem>> -> memref<!tpu.dma_semaphore, #tpu.memory_space<semaphore_mem>>
      %dma_start3A_279 = arith.constant 0 : i32
      %dma_start3A_280 = arith.constant 0 : i32
      %dma_start3A_281 = tpu.memref_slice %arg7[%dma_start3A_273, %dma_start3A_274, %dma_start3A_279, %dma_start3A_280] : memref<2x8x196x768xbf16, #tpu.memory_space<vmem>> -> memref<1x1x196x768xbf16, #tpu.memory_space<vmem>>
      %dma_start3A_282 = tpu.memref_squeeze %dma_start3A_281 : memref<1x1x196x768xbf16, #tpu.memory_space<vmem>> -> memref<196x768xbf16, #tpu.memory_space<vmem>>
      %dma_start3A_283 = arith.constant 0 : i32
      %dma_start3A_284 = arith.constant 0 : i32
      %dma_start3A_285 = tpu.memref_slice %arg5[%get3A_211, %dma_start3A_283, %dma_start3A_284] : memref<512x196x768xbf16, #tpu.memory_space<any>> -> memref<1x196x768xbf16, #tpu.memory_space<any>>
      %dma_start3A_286 = tpu.memref_squeeze %dma_start3A_285 : memref<1x196x768xbf16, #tpu.memory_space<any>> -> memref<196x768xbf16, #tpu.memory_space<any>>
      tpu.enqueue_dma source(%dma_start3A_286 : memref<196x768xbf16, #tpu.memory_space<any>>) target(%dma_start3A_282 : memref<196x768xbf16, #tpu.memory_space<vmem>>) target_semaphore(%dma_start3A_278 : memref<!tpu.dma_semaphore, #tpu.memory_space<semaphore_mem>>)
      %dma_start3A_287 = arith.constant 0 : i32
      %dma_start3A_288 = arith.constant 5 : i32
      %dma_start3A_289 = arith.constant 0 : i32
      %dma_start3A_290 = arith.constant 5 : i32
      %dma_start3A_291 = tpu.memref_slice %arg8[%dma_start3A_289, %dma_start3A_290] : memref<2x8x!tpu.dma_semaphore, #tpu.memory_space<semaphore_mem>> -> memref<1x1x!tpu.dma_semaphore, #tpu.memory_space<semaphore_mem>>
      %dma_start3A_292 = tpu.memref_squeeze %dma_start3A_291 : memref<1x1x!tpu.dma_semaphore, #tpu.memory_space<semaphore_mem>> -> memref<!tpu.dma_semaphore, #tpu.memory_space<semaphore_mem>>
      %dma_start3A_293 = arith.constant 0 : i32
      %dma_start3A_294 = arith.constant 0 : i32
      %dma_start3A_295 = tpu.memref_slice %arg7[%dma_start3A_287, %dma_start3A_288, %dma_start3A_293, %dma_start3A_294] : memref<2x8x196x768xbf16, #tpu.memory_space<vmem>> -> memref<1x1x196x768xbf16, #tpu.memory_space<vmem>>
      %dma_start3A_296 = tpu.memref_squeeze %dma_start3A_295 : memref<1x1x196x768xbf16, #tpu.memory_space<vmem>> -> memref<196x768xbf16, #tpu.memory_space<vmem>>
      %dma_start3A_297 = arith.constant 0 : i32
      %dma_start3A_298 = arith.constant 0 : i32
      %dma_start3A_299 = tpu.memref_slice %arg5[%get3A_213, %dma_start3A_297, %dma_start3A_298] : memref<512x196x768xbf16, #tpu.memory_space<any>> -> memref<1x196x768xbf16, #tpu.memory_space<any>>
      %dma_start3A_300 = tpu.memref_squeeze %dma_start3A_299 : memref<1x196x768xbf16, #tpu.memory_space<any>> -> memref<196x768xbf16, #tpu.memory_space<any>>
      tpu.enqueue_dma source(%dma_start3A_300 : memref<196x768xbf16, #tpu.memory_space<any>>) target(%dma_start3A_296 : memref<196x768xbf16, #tpu.memory_space<vmem>>) target_semaphore(%dma_start3A_292 : memref<!tpu.dma_semaphore, #tpu.memory_space<semaphore_mem>>)
      %dma_start3A_301 = arith.constant 0 : i32
      %dma_start3A_302 = arith.constant 6 : i32
      %dma_start3A_303 = arith.constant 0 : i32
      %dma_start3A_304 = arith.constant 6 : i32
      %dma_start3A_305 = tpu.memref_slice %arg8[%dma_start3A_303, %dma_start3A_304] : memref<2x8x!tpu.dma_semaphore, #tpu.memory_space<semaphore_mem>> -> memref<1x1x!tpu.dma_semaphore, #tpu.memory_space<semaphore_mem>>
      %dma_start3A_306 = tpu.memref_squeeze %dma_start3A_305 : memref<1x1x!tpu.dma_semaphore, #tpu.memory_space<semaphore_mem>> -> memref<!tpu.dma_semaphore, #tpu.memory_space<semaphore_mem>>
      %dma_start3A_307 = arith.constant 0 : i32
      %dma_start3A_308 = arith.constant 0 : i32
      %dma_start3A_309 = tpu.memref_slice %arg7[%dma_start3A_301, %dma_start3A_302, %dma_start3A_307, %dma_start3A_308] : memref<2x8x196x768xbf16, #tpu.memory_space<vmem>> -> memref<1x1x196x768xbf16, #tpu.memory_space<vmem>>
      %dma_start3A_310 = tpu.memref_squeeze %dma_start3A_309 : memref<1x1x196x768xbf16, #tpu.memory_space<vmem>> -> memref<196x768xbf16, #tpu.memory_space<vmem>>
      %dma_start3A_311 = arith.constant 0 : i32
      %dma_start3A_312 = arith.constant 0 : i32
      %dma_start3A_313 = tpu.memref_slice %arg5[%get3A_215, %dma_start3A_311, %dma_start3A_312] : memref<512x196x768xbf16, #tpu.memory_space<any>> -> memref<1x196x768xbf16, #tpu.memory_space<any>>
      %dma_start3A_314 = tpu.memref_squeeze %dma_start3A_313 : memref<1x196x768xbf16, #tpu.memory_space<any>> -> memref<196x768xbf16, #tpu.memory_space<any>>
      tpu.enqueue_dma source(%dma_start3A_314 : memref<196x768xbf16, #tpu.memory_space<any>>) target(%dma_start3A_310 : memref<196x768xbf16, #tpu.memory_space<vmem>>) target_semaphore(%dma_start3A_306 : memref<!tpu.dma_semaphore, #tpu.memory_space<semaphore_mem>>)
      %dma_start3A_315 = arith.constant 0 : i32
      %dma_start3A_316 = arith.constant 7 : i32
      %dma_start3A_317 = arith.constant 0 : i32
      %dma_start3A_318 = arith.constant 7 : i32
      %dma_start3A_319 = tpu.memref_slice %arg8[%dma_start3A_317, %dma_start3A_318] : memref<2x8x!tpu.dma_semaphore, #tpu.memory_space<semaphore_mem>> -> memref<1x1x!tpu.dma_semaphore, #tpu.memory_space<semaphore_mem>>
      %dma_start3A_320 = tpu.memref_squeeze %dma_start3A_319 : memref<1x1x!tpu.dma_semaphore, #tpu.memory_space<semaphore_mem>> -> memref<!tpu.dma_semaphore, #tpu.memory_space<semaphore_mem>>
      %dma_start3A_321 = arith.constant 0 : i32
      %dma_start3A_322 = arith.constant 0 : i32
      %dma_start3A_323 = tpu.memref_slice %arg7[%dma_start3A_315, %dma_start3A_316, %dma_start3A_321, %dma_start3A_322] : memref<2x8x196x768xbf16, #tpu.memory_space<vmem>> -> memref<1x1x196x768xbf16, #tpu.memory_space<vmem>>
      %dma_start3A_324 = tpu.memref_squeeze %dma_start3A_323 : memref<1x1x196x768xbf16, #tpu.memory_space<vmem>> -> memref<196x768xbf16, #tpu.memory_space<vmem>>
      %dma_start3A_325 = arith.constant 0 : i32
      %dma_start3A_326 = arith.constant 0 : i32
      %dma_start3A_327 = tpu.memref_slice %arg5[%get3A_217, %dma_start3A_325, %dma_start3A_326] : memref<512x196x768xbf16, #tpu.memory_space<any>> -> memref<1x196x768xbf16, #tpu.memory_space<any>>
      %dma_start3A_328 = tpu.memref_squeeze %dma_start3A_327 : memref<1x196x768xbf16, #tpu.memory_space<any>> -> memref<196x768xbf16, #tpu.memory_space<any>>
      tpu.enqueue_dma source(%dma_start3A_328 : memref<196x768xbf16, #tpu.memory_space<any>>) target(%dma_start3A_324 : memref<196x768xbf16, #tpu.memory_space<vmem>>) target_semaphore(%dma_start3A_320 : memref<!tpu.dma_semaphore, #tpu.memory_space<semaphore_mem>>)
    } else {
    }
    %add3A = arith.constant 1 : i32
    %add3A_2 = arith.addi %arg0, %add3A : i32
    %lt3A = arith.constant 4 : i32
    %lt3A_3 = arith.cmpi slt, %add3A_2, %lt3A : i32
    %convert_element_type3A_4 = arith.extui %lt3A_3 : i1 to i32
    %cond3A_5 = arith.constant 0 : i32
    %cond3A_6 = arith.cmpi ne, %convert_element_type3A_4, %cond3A_5 : i32
    scf.if %cond3A_6 {
      %add3A_202 = arith.constant 1 : i32
      %add3A_203 = arith.addi %arg0, %add3A_202 : i32
      %add3A_204 = arith.constant 1 : i32
      %add3A_205 = arith.addi %arg0, %add3A_204 : i32
      %jit3A_206 = arith.constant 2 : i32
      %eq3A_207 = arith.constant 0 : i32
      %eq3A_208 = arith.cmpi eq, %jit3A_206, %eq3A_207 : i32
      %jit3A_209 = arith.constant 1 : i32
      %select_n3A_210 = arith.select %eq3A_208, %jit3A_209, %jit3A_206 : i32
      %rem3A_211 = arith.remsi %add3A_205, %select_n3A_210 : i32
      %ne3A_212 = arith.constant 0 : i32
      %ne3A_213 = arith.cmpi ne, %rem3A_211, %ne3A_212 : i32
      %lt3A_214 = arith.constant 0 : i32
      %lt3A_215 = arith.cmpi slt, %rem3A_211, %lt3A_214 : i32
      %lt3A_216 = arith.constant 0 : i32
      %lt3A_217 = arith.cmpi slt, %select_n3A_210, %lt3A_216 : i32
      %ne3A_218 = arith.xori %lt3A_215, %lt3A_217 : i1
      %and3A_219 = arith.andi %ne3A_218, %ne3A_213 : i1
      %add3A_220 = arith.addi %rem3A_211, %select_n3A_210 : i32
      %select_n3A_221 = arith.select %and3A_219, %add3A_220, %rem3A_211 : i32
      %mul3A_222 = arith.constant 8 : i32
      %mul3A_223 = arith.muli %add3A_203, %mul3A_222 : i32
      %add3A_224 = arith.constant 0 : i32
      %add3A_225 = arith.addi %mul3A_223, %add3A_224 : i32
      %get3A_226 = arith.index_cast %add3A_225 : i32 to index
      %get3A_227 = memref.load %arg1[%get3A_226] : memref<32xi32, #tpu.memory_space<smem>>
      %mul3A_228 = arith.constant 8 : i32
      %mul3A_229 = arith.muli %add3A_203, %mul3A_228 : i32
      %add3A_230 = arith.constant 1 : i32
      %add3A_231 = arith.addi %mul3A_229, %add3A_230 : i32
      %get3A_232 = arith.index_cast %add3A_231 : i32 to index
      %get3A_233 = memref.load %arg1[%get3A_232] : memref<32xi32, #tpu.memory_space<smem>>
      %mul3A_234 = arith.constant 8 : i32
      %mul3A_235 = arith.muli %add3A_203, %mul3A_234 : i32
      %add3A_236 = arith.constant 2 : i32
      %add3A_237 = arith.addi %mul3A_235, %add3A_236 : i32
      %get3A_238 = arith.index_cast %add3A_237 : i32 to index
      %get3A_239 = memref.load %arg1[%get3A_238] : memref<32xi32, #tpu.memory_space<smem>>
      %mul3A_240 = arith.constant 8 : i32
      %mul3A_241 = arith.muli %add3A_203, %mul3A_240 : i32
      %add3A_242 = arith.constant 3 : i32
      %add3A_243 = arith.addi %mul3A_241, %add3A_242 : i32
      %get3A_244 = arith.index_cast %add3A_243 : i32 to index
      %get3A_245 = memref.load %arg1[%get3A_244] : memref<32xi32, #tpu.memory_space<smem>>
      %mul3A_246 = arith.constant 8 : i32
      %mul3A_247 = arith.muli %add3A_203, %mul3A_246 : i32
      %add3A_248 = arith.constant 4 : i32
      %add3A_249 = arith.addi %mul3A_247, %add3A_248 : i32
      %get3A_250 = arith.index_cast %add3A_249 : i32 to index
      %get3A_251 = memref.load %arg1[%get3A_250] : memref<32xi32, #tpu.memory_space<smem>>
      %mul3A_252 = arith.constant 8 : i32
      %mul3A_253 = arith.muli %add3A_203, %mul3A_252 : i32
      %add3A_254 = arith.constant 5 : i32
      %add3A_255 = arith.addi %mul3A_253, %add3A_254 : i32
      %get3A_256 = arith.index_cast %add3A_255 : i32 to index
      %get3A_257 = memref.load %arg1[%get3A_256] : memref<32xi32, #tpu.memory_space<smem>>
      %mul3A_258 = arith.constant 8 : i32
      %mul3A_259 = arith.muli %add3A_203, %mul3A_258 : i32
      %add3A_260 = arith.constant 6 : i32
      %add3A_261 = arith.addi %mul3A_259, %add3A_260 : i32
      %get3A_262 = arith.index_cast %add3A_261 : i32 to index
      %get3A_263 = memref.load %arg1[%get3A_262] : memref<32xi32, #tpu.memory_space<smem>>
      %mul3A_264 = arith.constant 8 : i32
      %mul3A_265 = arith.muli %add3A_203, %mul3A_264 : i32
      %add3A_266 = arith.constant 7 : i32
      %add3A_267 = arith.addi %mul3A_265, %add3A_266 : i32
      %get3A_268 = arith.index_cast %add3A_267 : i32 to index
      %get3A_269 = memref.load %arg1[%get3A_268] : memref<32xi32, #tpu.memory_space<smem>>
      %dma_start3A = arith.constant 0 : i32
      %dma_start3A_270 = arith.constant 0 : i32
      %dma_start3A_271 = tpu.memref_slice %arg8[%select_n3A_221, %dma_start3A_270] : memref<2x8x!tpu.dma_semaphore, #tpu.memory_space<semaphore_mem>> -> memref<1x1x!tpu.dma_semaphore, #tpu.memory_space<semaphore_mem>>
      %dma_start3A_272 = tpu.memref_squeeze %dma_start3A_271 : memref<1x1x!tpu.dma_semaphore, #tpu.memory_space<semaphore_mem>> -> memref<!tpu.dma_semaphore, #tpu.memory_space<semaphore_mem>>
      %dma_start3A_273 = arith.constant 0 : i32
      %dma_start3A_274 = arith.constant 0 : i32
      %dma_start3A_275 = tpu.memref_slice %arg7[%select_n3A_221, %dma_start3A, %dma_start3A_273, %dma_start3A_274] : memref<2x8x196x768xbf16, #tpu.memory_space<vmem>> -> memref<1x1x196x768xbf16, #tpu.memory_space<vmem>>
      %dma_start3A_276 = tpu.memref_squeeze %dma_start3A_275 : memref<1x1x196x768xbf16, #tpu.memory_space<vmem>> -> memref<196x768xbf16, #tpu.memory_space<vmem>>
      %dma_start3A_277 = arith.constant 0 : i32
      %dma_start3A_278 = arith.constant 0 : i32
      %dma_start3A_279 = tpu.memref_slice %arg5[%get3A_227, %dma_start3A_277, %dma_start3A_278] : memref<512x196x768xbf16, #tpu.memory_space<any>> -> memref<1x196x768xbf16, #tpu.memory_space<any>>
      %dma_start3A_280 = tpu.memref_squeeze %dma_start3A_279 : memref<1x196x768xbf16, #tpu.memory_space<any>> -> memref<196x768xbf16, #tpu.memory_space<any>>
      tpu.enqueue_dma source(%dma_start3A_280 : memref<196x768xbf16, #tpu.memory_space<any>>) target(%dma_start3A_276 : memref<196x768xbf16, #tpu.memory_space<vmem>>) target_semaphore(%dma_start3A_272 : memref<!tpu.dma_semaphore, #tpu.memory_space<semaphore_mem>>)
      %dma_start3A_281 = arith.constant 1 : i32
      %dma_start3A_282 = arith.constant 1 : i32
      %dma_start3A_283 = tpu.memref_slice %arg8[%select_n3A_221, %dma_start3A_282] : memref<2x8x!tpu.dma_semaphore, #tpu.memory_space<semaphore_mem>> -> memref<1x1x!tpu.dma_semaphore, #tpu.memory_space<semaphore_mem>>
      %dma_start3A_284 = tpu.memref_squeeze %dma_start3A_283 : memref<1x1x!tpu.dma_semaphore, #tpu.memory_space<semaphore_mem>> -> memref<!tpu.dma_semaphore, #tpu.memory_space<semaphore_mem>>
      %dma_start3A_285 = arith.constant 0 : i32
      %dma_start3A_286 = arith.constant 0 : i32
      %dma_start3A_287 = tpu.memref_slice %arg7[%select_n3A_221, %dma_start3A_281, %dma_start3A_285, %dma_start3A_286] : memref<2x8x196x768xbf16, #tpu.memory_space<vmem>> -> memref<1x1x196x768xbf16, #tpu.memory_space<vmem>>
      %dma_start3A_288 = tpu.memref_squeeze %dma_start3A_287 : memref<1x1x196x768xbf16, #tpu.memory_space<vmem>> -> memref<196x768xbf16, #tpu.memory_space<vmem>>
      %dma_start3A_289 = arith.constant 0 : i32
      %dma_start3A_290 = arith.constant 0 : i32
      %dma_start3A_291 = tpu.memref_slice %arg5[%get3A_233, %dma_start3A_289, %dma_start3A_290] : memref<512x196x768xbf16, #tpu.memory_space<any>> -> memref<1x196x768xbf16, #tpu.memory_space<any>>
      %dma_start3A_292 = tpu.memref_squeeze %dma_start3A_291 : memref<1x196x768xbf16, #tpu.memory_space<any>> -> memref<196x768xbf16, #tpu.memory_space<any>>
      tpu.enqueue_dma source(%dma_start3A_292 : memref<196x768xbf16, #tpu.memory_space<any>>) target(%dma_start3A_288 : memref<196x768xbf16, #tpu.memory_space<vmem>>) target_semaphore(%dma_start3A_284 : memref<!tpu.dma_semaphore, #tpu.memory_space<semaphore_mem>>)
      %dma_start3A_293 = arith.constant 2 : i32
      %dma_start3A_294 = arith.constant 2 : i32
      %dma_start3A_295 = tpu.memref_slice %arg8[%select_n3A_221, %dma_start3A_294] : memref<2x8x!tpu.dma_semaphore, #tpu.memory_space<semaphore_mem>> -> memref<1x1x!tpu.dma_semaphore, #tpu.memory_space<semaphore_mem>>
      %dma_start3A_296 = tpu.memref_squeeze %dma_start3A_295 : memref<1x1x!tpu.dma_semaphore, #tpu.memory_space<semaphore_mem>> -> memref<!tpu.dma_semaphore, #tpu.memory_space<semaphore_mem>>
      %dma_start3A_297 = arith.constant 0 : i32
      %dma_start3A_298 = arith.constant 0 : i32
      %dma_start3A_299 = tpu.memref_slice %arg7[%select_n3A_221, %dma_start3A_293, %dma_start3A_297, %dma_start3A_298] : memref<2x8x196x768xbf16, #tpu.memory_space<vmem>> -> memref<1x1x196x768xbf16, #tpu.memory_space<vmem>>
      %dma_start3A_300 = tpu.memref_squeeze %dma_start3A_299 : memref<1x1x196x768xbf16, #tpu.memory_space<vmem>> -> memref<196x768xbf16, #tpu.memory_space<vmem>>
      %dma_start3A_301 = arith.constant 0 : i32
      %dma_start3A_302 = arith.constant 0 : i32
      %dma_start3A_303 = tpu.memref_slice %arg5[%get3A_239, %dma_start3A_301, %dma_start3A_302] : memref<512x196x768xbf16, #tpu.memory_space<any>> -> memref<1x196x768xbf16, #tpu.memory_space<any>>
      %dma_start3A_304 = tpu.memref_squeeze %dma_start3A_303 : memref<1x196x768xbf16, #tpu.memory_space<any>> -> memref<196x768xbf16, #tpu.memory_space<any>>
      tpu.enqueue_dma source(%dma_start3A_304 : memref<196x768xbf16, #tpu.memory_space<any>>) target(%dma_start3A_300 : memref<196x768xbf16, #tpu.memory_space<vmem>>) target_semaphore(%dma_start3A_296 : memref<!tpu.dma_semaphore, #tpu.memory_space<semaphore_mem>>)
      %dma_start3A_305 = arith.constant 3 : i32
      %dma_start3A_306 = arith.constant 3 : i32
      %dma_start3A_307 = tpu.memref_slice %arg8[%select_n3A_221, %dma_start3A_306] : memref<2x8x!tpu.dma_semaphore, #tpu.memory_space<semaphore_mem>> -> memref<1x1x!tpu.dma_semaphore, #tpu.memory_space<semaphore_mem>>
      %dma_start3A_308 = tpu.memref_squeeze %dma_start3A_307 : memref<1x1x!tpu.dma_semaphore, #tpu.memory_space<semaphore_mem>> -> memref<!tpu.dma_semaphore, #tpu.memory_space<semaphore_mem>>
      %dma_start3A_309 = arith.constant 0 : i32
      %dma_start3A_310 = arith.constant 0 : i32
      %dma_start3A_311 = tpu.memref_slice %arg7[%select_n3A_221, %dma_start3A_305, %dma_start3A_309, %dma_start3A_310] : memref<2x8x196x768xbf16, #tpu.memory_space<vmem>> -> memref<1x1x196x768xbf16, #tpu.memory_space<vmem>>
      %dma_start3A_312 = tpu.memref_squeeze %dma_start3A_311 : memref<1x1x196x768xbf16, #tpu.memory_space<vmem>> -> memref<196x768xbf16, #tpu.memory_space<vmem>>
      %dma_start3A_313 = arith.constant 0 : i32
      %dma_start3A_314 = arith.constant 0 : i32
      %dma_start3A_315 = tpu.memref_slice %arg5[%get3A_245, %dma_start3A_313, %dma_start3A_314] : memref<512x196x768xbf16, #tpu.memory_space<any>> -> memref<1x196x768xbf16, #tpu.memory_space<any>>
      %dma_start3A_316 = tpu.memref_squeeze %dma_start3A_315 : memref<1x196x768xbf16, #tpu.memory_space<any>> -> memref<196x768xbf16, #tpu.memory_space<any>>
      tpu.enqueue_dma source(%dma_start3A_316 : memref<196x768xbf16, #tpu.memory_space<any>>) target(%dma_start3A_312 : memref<196x768xbf16, #tpu.memory_space<vmem>>) target_semaphore(%dma_start3A_308 : memref<!tpu.dma_semaphore, #tpu.memory_space<semaphore_mem>>)
      %dma_start3A_317 = arith.constant 4 : i32
      %dma_start3A_318 = arith.constant 4 : i32
      %dma_start3A_319 = tpu.memref_slice %arg8[%select_n3A_221, %dma_start3A_318] : memref<2x8x!tpu.dma_semaphore, #tpu.memory_space<semaphore_mem>> -> memref<1x1x!tpu.dma_semaphore, #tpu.memory_space<semaphore_mem>>
      %dma_start3A_320 = tpu.memref_squeeze %dma_start3A_319 : memref<1x1x!tpu.dma_semaphore, #tpu.memory_space<semaphore_mem>> -> memref<!tpu.dma_semaphore, #tpu.memory_space<semaphore_mem>>
      %dma_start3A_321 = arith.constant 0 : i32
      %dma_start3A_322 = arith.constant 0 : i32
      %dma_start3A_323 = tpu.memref_slice %arg7[%select_n3A_221, %dma_start3A_317, %dma_start3A_321, %dma_start3A_322] : memref<2x8x196x768xbf16, #tpu.memory_space<vmem>> -> memref<1x1x196x768xbf16, #tpu.memory_space<vmem>>
      %dma_start3A_324 = tpu.memref_squeeze %dma_start3A_323 : memref<1x1x196x768xbf16, #tpu.memory_space<vmem>> -> memref<196x768xbf16, #tpu.memory_space<vmem>>
      %dma_start3A_325 = arith.constant 0 : i32
      %dma_start3A_326 = arith.constant 0 : i32
      %dma_start3A_327 = tpu.memref_slice %arg5[%get3A_251, %dma_start3A_325, %dma_start3A_326] : memref<512x196x768xbf16, #tpu.memory_space<any>> -> memref<1x196x768xbf16, #tpu.memory_space<any>>
      %dma_start3A_328 = tpu.memref_squeeze %dma_start3A_327 : memref<1x196x768xbf16, #tpu.memory_space<any>> -> memref<196x768xbf16, #tpu.memory_space<any>>
      tpu.enqueue_dma source(%dma_start3A_328 : memref<196x768xbf16, #tpu.memory_space<any>>) target(%dma_start3A_324 : memref<196x768xbf16, #tpu.memory_space<vmem>>) target_semaphore(%dma_start3A_320 : memref<!tpu.dma_semaphore, #tpu.memory_space<semaphore_mem>>)
      %dma_start3A_329 = arith.constant 5 : i32
      %dma_start3A_330 = arith.constant 5 : i32
      %dma_start3A_331 = tpu.memref_slice %arg8[%select_n3A_221, %dma_start3A_330] : memref<2x8x!tpu.dma_semaphore, #tpu.memory_space<semaphore_mem>> -> memref<1x1x!tpu.dma_semaphore, #tpu.memory_space<semaphore_mem>>
      %dma_start3A_332 = tpu.memref_squeeze %dma_start3A_331 : memref<1x1x!tpu.dma_semaphore, #tpu.memory_space<semaphore_mem>> -> memref<!tpu.dma_semaphore, #tpu.memory_space<semaphore_mem>>
      %dma_start3A_333 = arith.constant 0 : i32
      %dma_start3A_334 = arith.constant 0 : i32
      %dma_start3A_335 = tpu.memref_slice %arg7[%select_n3A_221, %dma_start3A_329, %dma_start3A_333, %dma_start3A_334] : memref<2x8x196x768xbf16, #tpu.memory_space<vmem>> -> memref<1x1x196x768xbf16, #tpu.memory_space<vmem>>
      %dma_start3A_336 = tpu.memref_squeeze %dma_start3A_335 : memref<1x1x196x768xbf16, #tpu.memory_space<vmem>> -> memref<196x768xbf16, #tpu.memory_space<vmem>>
      %dma_start3A_337 = arith.constant 0 : i32
      %dma_start3A_338 = arith.constant 0 : i32
      %dma_start3A_339 = tpu.memref_slice %arg5[%get3A_257, %dma_start3A_337, %dma_start3A_338] : memref<512x196x768xbf16, #tpu.memory_space<any>> -> memref<1x196x768xbf16, #tpu.memory_space<any>>
      %dma_start3A_340 = tpu.memref_squeeze %dma_start3A_339 : memref<1x196x768xbf16, #tpu.memory_space<any>> -> memref<196x768xbf16, #tpu.memory_space<any>>
      tpu.enqueue_dma source(%dma_start3A_340 : memref<196x768xbf16, #tpu.memory_space<any>>) target(%dma_start3A_336 : memref<196x768xbf16, #tpu.memory_space<vmem>>) target_semaphore(%dma_start3A_332 : memref<!tpu.dma_semaphore, #tpu.memory_space<semaphore_mem>>)
      %dma_start3A_341 = arith.constant 6 : i32
      %dma_start3A_342 = arith.constant 6 : i32
      %dma_start3A_343 = tpu.memref_slice %arg8[%select_n3A_221, %dma_start3A_342] : memref<2x8x!tpu.dma_semaphore, #tpu.memory_space<semaphore_mem>> -> memref<1x1x!tpu.dma_semaphore, #tpu.memory_space<semaphore_mem>>
      %dma_start3A_344 = tpu.memref_squeeze %dma_start3A_343 : memref<1x1x!tpu.dma_semaphore, #tpu.memory_space<semaphore_mem>> -> memref<!tpu.dma_semaphore, #tpu.memory_space<semaphore_mem>>
      %dma_start3A_345 = arith.constant 0 : i32
      %dma_start3A_346 = arith.constant 0 : i32
      %dma_start3A_347 = tpu.memref_slice %arg7[%select_n3A_221, %dma_start3A_341, %dma_start3A_345, %dma_start3A_346] : memref<2x8x196x768xbf16, #tpu.memory_space<vmem>> -> memref<1x1x196x768xbf16, #tpu.memory_space<vmem>>
      %dma_start3A_348 = tpu.memref_squeeze %dma_start3A_347 : memref<1x1x196x768xbf16, #tpu.memory_space<vmem>> -> memref<196x768xbf16, #tpu.memory_space<vmem>>
      %dma_start3A_349 = arith.constant 0 : i32
      %dma_start3A_350 = arith.constant 0 : i32
      %dma_start3A_351 = tpu.memref_slice %arg5[%get3A_263, %dma_start3A_349, %dma_start3A_350] : memref<512x196x768xbf16, #tpu.memory_space<any>> -> memref<1x196x768xbf16, #tpu.memory_space<any>>
      %dma_start3A_352 = tpu.memref_squeeze %dma_start3A_351 : memref<1x196x768xbf16, #tpu.memory_space<any>> -> memref<196x768xbf16, #tpu.memory_space<any>>
      tpu.enqueue_dma source(%dma_start3A_352 : memref<196x768xbf16, #tpu.memory_space<any>>) target(%dma_start3A_348 : memref<196x768xbf16, #tpu.memory_space<vmem>>) target_semaphore(%dma_start3A_344 : memref<!tpu.dma_semaphore, #tpu.memory_space<semaphore_mem>>)
      %dma_start3A_353 = arith.constant 7 : i32
      %dma_start3A_354 = arith.constant 7 : i32
      %dma_start3A_355 = tpu.memref_slice %arg8[%select_n3A_221, %dma_start3A_354] : memref<2x8x!tpu.dma_semaphore, #tpu.memory_space<semaphore_mem>> -> memref<1x1x!tpu.dma_semaphore, #tpu.memory_space<semaphore_mem>>
      %dma_start3A_356 = tpu.memref_squeeze %dma_start3A_355 : memref<1x1x!tpu.dma_semaphore, #tpu.memory_space<semaphore_mem>> -> memref<!tpu.dma_semaphore, #tpu.memory_space<semaphore_mem>>
      %dma_start3A_357 = arith.constant 0 : i32
      %dma_start3A_358 = arith.constant 0 : i32
      %dma_start3A_359 = tpu.memref_slice %arg7[%select_n3A_221, %dma_start3A_353, %dma_start3A_357, %dma_start3A_358] : memref<2x8x196x768xbf16, #tpu.memory_space<vmem>> -> memref<1x1x196x768xbf16, #tpu.memory_space<vmem>>
      %dma_start3A_360 = tpu.memref_squeeze %dma_start3A_359 : memref<1x1x196x768xbf16, #tpu.memory_space<vmem>> -> memref<196x768xbf16, #tpu.memory_space<vmem>>
      %dma_start3A_361 = arith.constant 0 : i32
      %dma_start3A_362 = arith.constant 0 : i32
      %dma_start3A_363 = tpu.memref_slice %arg5[%get3A_269, %dma_start3A_361, %dma_start3A_362] : memref<512x196x768xbf16, #tpu.memory_space<any>> -> memref<1x196x768xbf16, #tpu.memory_space<any>>
      %dma_start3A_364 = tpu.memref_squeeze %dma_start3A_363 : memref<1x196x768xbf16, #tpu.memory_space<any>> -> memref<196x768xbf16, #tpu.memory_space<any>>
      tpu.enqueue_dma source(%dma_start3A_364 : memref<196x768xbf16, #tpu.memory_space<any>>) target(%dma_start3A_360 : memref<196x768xbf16, #tpu.memory_space<vmem>>) target_semaphore(%dma_start3A_356 : memref<!tpu.dma_semaphore, #tpu.memory_space<semaphore_mem>>)
    } else {
    }
    %jit3A = arith.constant 2 : i32
    %eq3A_7 = arith.constant 0 : i32
    %eq3A_8 = arith.cmpi eq, %jit3A, %eq3A_7 : i32
    %jit3A_9 = arith.constant 1 : i32
    %select_n3A = arith.select %eq3A_8, %jit3A_9, %jit3A : i32
    %rem3A = arith.remsi %arg0, %select_n3A : i32
    %ne3A = arith.constant 0 : i32
    %ne3A_10 = arith.cmpi ne, %rem3A, %ne3A : i32
    %lt3A_11 = arith.constant 0 : i32
    %lt3A_12 = arith.cmpi slt, %rem3A, %lt3A_11 : i32
    %lt3A_13 = arith.constant 0 : i32
    %lt3A_14 = arith.cmpi slt, %select_n3A, %lt3A_13 : i32
    %ne3A_15 = arith.xori %lt3A_12, %lt3A_14 : i1
    %and3A = arith.andi %ne3A_15, %ne3A_10 : i1
    %add3A_16 = arith.addi %rem3A, %select_n3A : i32
    %select_n3A_17 = arith.select %and3A, %add3A_16, %rem3A : i32
    %mul3A = arith.constant 8 : i32
    %mul3A_18 = arith.muli %arg0, %mul3A : i32
    %add3A_19 = arith.constant 0 : i32
    %add3A_20 = arith.addi %mul3A_18, %add3A_19 : i32
    %get3A = arith.index_cast %add3A_20 : i32 to index
    %get3A_21 = memref.load %arg1[%get3A] : memref<32xi32, #tpu.memory_space<smem>>
    %mul3A_22 = arith.constant 8 : i32
    %mul3A_23 = arith.muli %arg0, %mul3A_22 : i32
    %add3A_24 = arith.constant 1 : i32
    %add3A_25 = arith.addi %mul3A_23, %add3A_24 : i32
    %get3A_26 = arith.index_cast %add3A_25 : i32 to index
    %get3A_27 = memref.load %arg1[%get3A_26] : memref<32xi32, #tpu.memory_space<smem>>
    %mul3A_28 = arith.constant 8 : i32
    %mul3A_29 = arith.muli %arg0, %mul3A_28 : i32
    %add3A_30 = arith.constant 2 : i32
    %add3A_31 = arith.addi %mul3A_29, %add3A_30 : i32
    %get3A_32 = arith.index_cast %add3A_31 : i32 to index
    %get3A_33 = memref.load %arg1[%get3A_32] : memref<32xi32, #tpu.memory_space<smem>>
    %mul3A_34 = arith.constant 8 : i32
    %mul3A_35 = arith.muli %arg0, %mul3A_34 : i32
    %add3A_36 = arith.constant 3 : i32
    %add3A_37 = arith.addi %mul3A_35, %add3A_36 : i32
    %get3A_38 = arith.index_cast %add3A_37 : i32 to index
    %get3A_39 = memref.load %arg1[%get3A_38] : memref<32xi32, #tpu.memory_space<smem>>
    %mul3A_40 = arith.constant 8 : i32
    %mul3A_41 = arith.muli %arg0, %mul3A_40 : i32
    %add3A_42 = arith.constant 4 : i32
    %add3A_43 = arith.addi %mul3A_41, %add3A_42 : i32
    %get3A_44 = arith.index_cast %add3A_43 : i32 to index
    %get3A_45 = memref.load %arg1[%get3A_44] : memref<32xi32, #tpu.memory_space<smem>>
    %mul3A_46 = arith.constant 8 : i32
    %mul3A_47 = arith.muli %arg0, %mul3A_46 : i32
    %add3A_48 = arith.constant 5 : i32
    %add3A_49 = arith.addi %mul3A_47, %add3A_48 : i32
    %get3A_50 = arith.index_cast %add3A_49 : i32 to index
    %get3A_51 = memref.load %arg1[%get3A_50] : memref<32xi32, #tpu.memory_space<smem>>
    %mul3A_52 = arith.constant 8 : i32
    %mul3A_53 = arith.muli %arg0, %mul3A_52 : i32
    %add3A_54 = arith.constant 6 : i32
    %add3A_55 = arith.addi %mul3A_53, %add3A_54 : i32
    %get3A_56 = arith.index_cast %add3A_55 : i32 to index
    %get3A_57 = memref.load %arg1[%get3A_56] : memref<32xi32, #tpu.memory_space<smem>>
    %mul3A_58 = arith.constant 8 : i32
    %mul3A_59 = arith.muli %arg0, %mul3A_58 : i32
    %add3A_60 = arith.constant 7 : i32
    %add3A_61 = arith.addi %mul3A_59, %add3A_60 : i32
    %get3A_62 = arith.index_cast %add3A_61 : i32 to index
    %get3A_63 = memref.load %arg1[%get3A_62] : memref<32xi32, #tpu.memory_space<smem>>
    %dma_wait3A = arith.constant 0 : i32
    %dma_wait3A_64 = arith.constant 0 : i32
    %dma_wait3A_65 = tpu.memref_slice %arg8[%select_n3A_17, %dma_wait3A_64] : memref<2x8x!tpu.dma_semaphore, #tpu.memory_space<semaphore_mem>> -> memref<1x1x!tpu.dma_semaphore, #tpu.memory_space<semaphore_mem>>
    %dma_wait3A_66 = tpu.memref_squeeze %dma_wait3A_65 : memref<1x1x!tpu.dma_semaphore, #tpu.memory_space<semaphore_mem>> -> memref<!tpu.dma_semaphore, #tpu.memory_space<semaphore_mem>>
    %dma_wait3A_67 = arith.constant 0 : i32
    %dma_wait3A_68 = arith.constant 0 : i32
    %dma_wait3A_69 = tpu.memref_slice %arg7[%select_n3A_17, %dma_wait3A, %dma_wait3A_67, %dma_wait3A_68] : memref<2x8x196x768xbf16, #tpu.memory_space<vmem>> -> memref<1x1x196x768xbf16, #tpu.memory_space<vmem>>
    %dma_wait3A_70 = tpu.memref_squeeze %dma_wait3A_69 : memref<1x1x196x768xbf16, #tpu.memory_space<vmem>> -> memref<196x768xbf16, #tpu.memory_space<vmem>>
    %dma_wait3A_71 = arith.constant 0 : i32
    %dma_wait3A_72 = arith.constant 0 : i32
    %dma_wait3A_73 = tpu.memref_slice %arg5[%get3A_21, %dma_wait3A_71, %dma_wait3A_72] : memref<512x196x768xbf16, #tpu.memory_space<any>> -> memref<1x196x768xbf16, #tpu.memory_space<any>>
    %dma_wait3A_74 = tpu.memref_squeeze %dma_wait3A_73 : memref<1x196x768xbf16, #tpu.memory_space<any>> -> memref<196x768xbf16, #tpu.memory_space<any>>
    tpu.wait_dma2 semaphore(%dma_wait3A_66 : memref<!tpu.dma_semaphore, #tpu.memory_space<semaphore_mem>>) src(%dma_wait3A_74 : memref<196x768xbf16, #tpu.memory_space<any>>) dst(%dma_wait3A_70 : memref<196x768xbf16, #tpu.memory_space<vmem>>)
    %dma_wait3A_75 = arith.constant 1 : i32
    %dma_wait3A_76 = arith.constant 1 : i32
    %dma_wait3A_77 = tpu.memref_slice %arg8[%select_n3A_17, %dma_wait3A_76] : memref<2x8x!tpu.dma_semaphore, #tpu.memory_space<semaphore_mem>> -> memref<1x1x!tpu.dma_semaphore, #tpu.memory_space<semaphore_mem>>
    %dma_wait3A_78 = tpu.memref_squeeze %dma_wait3A_77 : memref<1x1x!tpu.dma_semaphore, #tpu.memory_space<semaphore_mem>> -> memref<!tpu.dma_semaphore, #tpu.memory_space<semaphore_mem>>
    %dma_wait3A_79 = arith.constant 0 : i32
    %dma_wait3A_80 = arith.constant 0 : i32
    %dma_wait3A_81 = tpu.memref_slice %arg7[%select_n3A_17, %dma_wait3A_75, %dma_wait3A_79, %dma_wait3A_80] : memref<2x8x196x768xbf16, #tpu.memory_space<vmem>> -> memref<1x1x196x768xbf16, #tpu.memory_space<vmem>>
    %dma_wait3A_82 = tpu.memref_squeeze %dma_wait3A_81 : memref<1x1x196x768xbf16, #tpu.memory_space<vmem>> -> memref<196x768xbf16, #tpu.memory_space<vmem>>
    %dma_wait3A_83 = arith.constant 0 : i32
    %dma_wait3A_84 = arith.constant 0 : i32
    %dma_wait3A_85 = tpu.memref_slice %arg5[%get3A_27, %dma_wait3A_83, %dma_wait3A_84] : memref<512x196x768xbf16, #tpu.memory_space<any>> -> memref<1x196x768xbf16, #tpu.memory_space<any>>
    %dma_wait3A_86 = tpu.memref_squeeze %dma_wait3A_85 : memref<1x196x768xbf16, #tpu.memory_space<any>> -> memref<196x768xbf16, #tpu.memory_space<any>>
    tpu.wait_dma2 semaphore(%dma_wait3A_78 : memref<!tpu.dma_semaphore, #tpu.memory_space<semaphore_mem>>) src(%dma_wait3A_86 : memref<196x768xbf16, #tpu.memory_space<any>>) dst(%dma_wait3A_82 : memref<196x768xbf16, #tpu.memory_space<vmem>>)
    %dma_wait3A_87 = arith.constant 2 : i32
    %dma_wait3A_88 = arith.constant 2 : i32
    %dma_wait3A_89 = tpu.memref_slice %arg8[%select_n3A_17, %dma_wait3A_88] : memref<2x8x!tpu.dma_semaphore, #tpu.memory_space<semaphore_mem>> -> memref<1x1x!tpu.dma_semaphore, #tpu.memory_space<semaphore_mem>>
    %dma_wait3A_90 = tpu.memref_squeeze %dma_wait3A_89 : memref<1x1x!tpu.dma_semaphore, #tpu.memory_space<semaphore_mem>> -> memref<!tpu.dma_semaphore, #tpu.memory_space<semaphore_mem>>
    %dma_wait3A_91 = arith.constant 0 : i32
    %dma_wait3A_92 = arith.constant 0 : i32
    %dma_wait3A_93 = tpu.memref_slice %arg7[%select_n3A_17, %dma_wait3A_87, %dma_wait3A_91, %dma_wait3A_92] : memref<2x8x196x768xbf16, #tpu.memory_space<vmem>> -> memref<1x1x196x768xbf16, #tpu.memory_space<vmem>>
    %dma_wait3A_94 = tpu.memref_squeeze %dma_wait3A_93 : memref<1x1x196x768xbf16, #tpu.memory_space<vmem>> -> memref<196x768xbf16, #tpu.memory_space<vmem>>
    %dma_wait3A_95 = arith.constant 0 : i32
    %dma_wait3A_96 = arith.constant 0 : i32
    %dma_wait3A_97 = tpu.memref_slice %arg5[%get3A_33, %dma_wait3A_95, %dma_wait3A_96] : memref<512x196x768xbf16, #tpu.memory_space<any>> -> memref<1x196x768xbf16, #tpu.memory_space<any>>
    %dma_wait3A_98 = tpu.memref_squeeze %dma_wait3A_97 : memref<1x196x768xbf16, #tpu.memory_space<any>> -> memref<196x768xbf16, #tpu.memory_space<any>>
    tpu.wait_dma2 semaphore(%dma_wait3A_90 : memref<!tpu.dma_semaphore, #tpu.memory_space<semaphore_mem>>) src(%dma_wait3A_98 : memref<196x768xbf16, #tpu.memory_space<any>>) dst(%dma_wait3A_94 : memref<196x768xbf16, #tpu.memory_space<vmem>>)
    %dma_wait3A_99 = arith.constant 3 : i32
    %dma_wait3A_100 = arith.constant 3 : i32
    %dma_wait3A_101 = tpu.memref_slice %arg8[%select_n3A_17, %dma_wait3A_100] : memref<2x8x!tpu.dma_semaphore, #tpu.memory_space<semaphore_mem>> -> memref<1x1x!tpu.dma_semaphore, #tpu.memory_space<semaphore_mem>>
    %dma_wait3A_102 = tpu.memref_squeeze %dma_wait3A_101 : memref<1x1x!tpu.dma_semaphore, #tpu.memory_space<semaphore_mem>> -> memref<!tpu.dma_semaphore, #tpu.memory_space<semaphore_mem>>
    %dma_wait3A_103 = arith.constant 0 : i32
    %dma_wait3A_104 = arith.constant 0 : i32
    %dma_wait3A_105 = tpu.memref_slice %arg7[%select_n3A_17, %dma_wait3A_99, %dma_wait3A_103, %dma_wait3A_104] : memref<2x8x196x768xbf16, #tpu.memory_space<vmem>> -> memref<1x1x196x768xbf16, #tpu.memory_space<vmem>>
    %dma_wait3A_106 = tpu.memref_squeeze %dma_wait3A_105 : memref<1x1x196x768xbf16, #tpu.memory_space<vmem>> -> memref<196x768xbf16, #tpu.memory_space<vmem>>
    %dma_wait3A_107 = arith.constant 0 : i32
    %dma_wait3A_108 = arith.constant 0 : i32
    %dma_wait3A_109 = tpu.memref_slice %arg5[%get3A_39, %dma_wait3A_107, %dma_wait3A_108] : memref<512x196x768xbf16, #tpu.memory_space<any>> -> memref<1x196x768xbf16, #tpu.memory_space<any>>
    %dma_wait3A_110 = tpu.memref_squeeze %dma_wait3A_109 : memref<1x196x768xbf16, #tpu.memory_space<any>> -> memref<196x768xbf16, #tpu.memory_space<any>>
    tpu.wait_dma2 semaphore(%dma_wait3A_102 : memref<!tpu.dma_semaphore, #tpu.memory_space<semaphore_mem>>) src(%dma_wait3A_110 : memref<196x768xbf16, #tpu.memory_space<any>>) dst(%dma_wait3A_106 : memref<196x768xbf16, #tpu.memory_space<vmem>>)
    %dma_wait3A_111 = arith.constant 4 : i32
    %dma_wait3A_112 = arith.constant 4 : i32
    %dma_wait3A_113 = tpu.memref_slice %arg8[%select_n3A_17, %dma_wait3A_112] : memref<2x8x!tpu.dma_semaphore, #tpu.memory_space<semaphore_mem>> -> memref<1x1x!tpu.dma_semaphore, #tpu.memory_space<semaphore_mem>>
    %dma_wait3A_114 = tpu.memref_squeeze %dma_wait3A_113 : memref<1x1x!tpu.dma_semaphore, #tpu.memory_space<semaphore_mem>> -> memref<!tpu.dma_semaphore, #tpu.memory_space<semaphore_mem>>
    %dma_wait3A_115 = arith.constant 0 : i32
    %dma_wait3A_116 = arith.constant 0 : i32
    %dma_wait3A_117 = tpu.memref_slice %arg7[%select_n3A_17, %dma_wait3A_111, %dma_wait3A_115, %dma_wait3A_116] : memref<2x8x196x768xbf16, #tpu.memory_space<vmem>> -> memref<1x1x196x768xbf16, #tpu.memory_space<vmem>>
    %dma_wait3A_118 = tpu.memref_squeeze %dma_wait3A_117 : memref<1x1x196x768xbf16, #tpu.memory_space<vmem>> -> memref<196x768xbf16, #tpu.memory_space<vmem>>
    %dma_wait3A_119 = arith.constant 0 : i32
    %dma_wait3A_120 = arith.constant 0 : i32
    %dma_wait3A_121 = tpu.memref_slice %arg5[%get3A_45, %dma_wait3A_119, %dma_wait3A_120] : memref<512x196x768xbf16, #tpu.memory_space<any>> -> memref<1x196x768xbf16, #tpu.memory_space<any>>
    %dma_wait3A_122 = tpu.memref_squeeze %dma_wait3A_121 : memref<1x196x768xbf16, #tpu.memory_space<any>> -> memref<196x768xbf16, #tpu.memory_space<any>>
    tpu.wait_dma2 semaphore(%dma_wait3A_114 : memref<!tpu.dma_semaphore, #tpu.memory_space<semaphore_mem>>) src(%dma_wait3A_122 : memref<196x768xbf16, #tpu.memory_space<any>>) dst(%dma_wait3A_118 : memref<196x768xbf16, #tpu.memory_space<vmem>>)
    %dma_wait3A_123 = arith.constant 5 : i32
    %dma_wait3A_124 = arith.constant 5 : i32
    %dma_wait3A_125 = tpu.memref_slice %arg8[%select_n3A_17, %dma_wait3A_124] : memref<2x8x!tpu.dma_semaphore, #tpu.memory_space<semaphore_mem>> -> memref<1x1x!tpu.dma_semaphore, #tpu.memory_space<semaphore_mem>>
    %dma_wait3A_126 = tpu.memref_squeeze %dma_wait3A_125 : memref<1x1x!tpu.dma_semaphore, #tpu.memory_space<semaphore_mem>> -> memref<!tpu.dma_semaphore, #tpu.memory_space<semaphore_mem>>
    %dma_wait3A_127 = arith.constant 0 : i32
    %dma_wait3A_128 = arith.constant 0 : i32
    %dma_wait3A_129 = tpu.memref_slice %arg7[%select_n3A_17, %dma_wait3A_123, %dma_wait3A_127, %dma_wait3A_128] : memref<2x8x196x768xbf16, #tpu.memory_space<vmem>> -> memref<1x1x196x768xbf16, #tpu.memory_space<vmem>>
    %dma_wait3A_130 = tpu.memref_squeeze %dma_wait3A_129 : memref<1x1x196x768xbf16, #tpu.memory_space<vmem>> -> memref<196x768xbf16, #tpu.memory_space<vmem>>
    %dma_wait3A_131 = arith.constant 0 : i32
    %dma_wait3A_132 = arith.constant 0 : i32
    %dma_wait3A_133 = tpu.memref_slice %arg5[%get3A_51, %dma_wait3A_131, %dma_wait3A_132] : memref<512x196x768xbf16, #tpu.memory_space<any>> -> memref<1x196x768xbf16, #tpu.memory_space<any>>
    %dma_wait3A_134 = tpu.memref_squeeze %dma_wait3A_133 : memref<1x196x768xbf16, #tpu.memory_space<any>> -> memref<196x768xbf16, #tpu.memory_space<any>>
    tpu.wait_dma2 semaphore(%dma_wait3A_126 : memref<!tpu.dma_semaphore, #tpu.memory_space<semaphore_mem>>) src(%dma_wait3A_134 : memref<196x768xbf16, #tpu.memory_space<any>>) dst(%dma_wait3A_130 : memref<196x768xbf16, #tpu.memory_space<vmem>>)
    %dma_wait3A_135 = arith.constant 6 : i32
    %dma_wait3A_136 = arith.constant 6 : i32
    %dma_wait3A_137 = tpu.memref_slice %arg8[%select_n3A_17, %dma_wait3A_136] : memref<2x8x!tpu.dma_semaphore, #tpu.memory_space<semaphore_mem>> -> memref<1x1x!tpu.dma_semaphore, #tpu.memory_space<semaphore_mem>>
    %dma_wait3A_138 = tpu.memref_squeeze %dma_wait3A_137 : memref<1x1x!tpu.dma_semaphore, #tpu.memory_space<semaphore_mem>> -> memref<!tpu.dma_semaphore, #tpu.memory_space<semaphore_mem>>
    %dma_wait3A_139 = arith.constant 0 : i32
    %dma_wait3A_140 = arith.constant 0 : i32
    %dma_wait3A_141 = tpu.memref_slice %arg7[%select_n3A_17, %dma_wait3A_135, %dma_wait3A_139, %dma_wait3A_140] : memref<2x8x196x768xbf16, #tpu.memory_space<vmem>> -> memref<1x1x196x768xbf16, #tpu.memory_space<vmem>>
    %dma_wait3A_142 = tpu.memref_squeeze %dma_wait3A_141 : memref<1x1x196x768xbf16, #tpu.memory_space<vmem>> -> memref<196x768xbf16, #tpu.memory_space<vmem>>
    %dma_wait3A_143 = arith.constant 0 : i32
    %dma_wait3A_144 = arith.constant 0 : i32
    %dma_wait3A_145 = tpu.memref_slice %arg5[%get3A_57, %dma_wait3A_143, %dma_wait3A_144] : memref<512x196x768xbf16, #tpu.memory_space<any>> -> memref<1x196x768xbf16, #tpu.memory_space<any>>
    %dma_wait3A_146 = tpu.memref_squeeze %dma_wait3A_145 : memref<1x196x768xbf16, #tpu.memory_space<any>> -> memref<196x768xbf16, #tpu.memory_space<any>>
    tpu.wait_dma2 semaphore(%dma_wait3A_138 : memref<!tpu.dma_semaphore, #tpu.memory_space<semaphore_mem>>) src(%dma_wait3A_146 : memref<196x768xbf16, #tpu.memory_space<any>>) dst(%dma_wait3A_142 : memref<196x768xbf16, #tpu.memory_space<vmem>>)
    %dma_wait3A_147 = arith.constant 7 : i32
    %dma_wait3A_148 = arith.constant 7 : i32
    %dma_wait3A_149 = tpu.memref_slice %arg8[%select_n3A_17, %dma_wait3A_148] : memref<2x8x!tpu.dma_semaphore, #tpu.memory_space<semaphore_mem>> -> memref<1x1x!tpu.dma_semaphore, #tpu.memory_space<semaphore_mem>>
    %dma_wait3A_150 = tpu.memref_squeeze %dma_wait3A_149 : memref<1x1x!tpu.dma_semaphore, #tpu.memory_space<semaphore_mem>> -> memref<!tpu.dma_semaphore, #tpu.memory_space<semaphore_mem>>
    %dma_wait3A_151 = arith.constant 0 : i32
    %dma_wait3A_152 = arith.constant 0 : i32
    %dma_wait3A_153 = tpu.memref_slice %arg7[%select_n3A_17, %dma_wait3A_147, %dma_wait3A_151, %dma_wait3A_152] : memref<2x8x196x768xbf16, #tpu.memory_space<vmem>> -> memref<1x1x196x768xbf16, #tpu.memory_space<vmem>>
    %dma_wait3A_154 = tpu.memref_squeeze %dma_wait3A_153 : memref<1x1x196x768xbf16, #tpu.memory_space<vmem>> -> memref<196x768xbf16, #tpu.memory_space<vmem>>
    %dma_wait3A_155 = arith.constant 0 : i32
    %dma_wait3A_156 = arith.constant 0 : i32
    %dma_wait3A_157 = tpu.memref_slice %arg5[%get3A_63, %dma_wait3A_155, %dma_wait3A_156] : memref<512x196x768xbf16, #tpu.memory_space<any>> -> memref<1x196x768xbf16, #tpu.memory_space<any>>
    %dma_wait3A_158 = tpu.memref_squeeze %dma_wait3A_157 : memref<1x196x768xbf16, #tpu.memory_space<any>> -> memref<196x768xbf16, #tpu.memory_space<any>>
    tpu.wait_dma2 semaphore(%dma_wait3A_150 : memref<!tpu.dma_semaphore, #tpu.memory_space<semaphore_mem>>) src(%dma_wait3A_158 : memref<196x768xbf16, #tpu.memory_space<any>>) dst(%dma_wait3A_154 : memref<196x768xbf16, #tpu.memory_space<vmem>>)
    %jit3A_159 = arith.constant 2 : i32
    %eq3A_160 = arith.constant 0 : i32
    %eq3A_161 = arith.cmpi eq, %jit3A_159, %eq3A_160 : i32
    %jit3A_162 = arith.constant 1 : i32
    %select_n3A_163 = arith.select %eq3A_161, %jit3A_162, %jit3A_159 : i32
    %rem3A_164 = arith.remsi %arg0, %select_n3A_163 : i32
    %ne3A_165 = arith.constant 0 : i32
    %ne3A_166 = arith.cmpi ne, %rem3A_164, %ne3A_165 : i32
    %lt3A_167 = arith.constant 0 : i32
    %lt3A_168 = arith.cmpi slt, %rem3A_164, %lt3A_167 : i32
    %lt3A_169 = arith.constant 0 : i32
    %lt3A_170 = arith.cmpi slt, %select_n3A_163, %lt3A_169 : i32
    %ne3A_171 = arith.xori %lt3A_168, %lt3A_170 : i1
    %and3A_172 = arith.andi %ne3A_171, %ne3A_166 : i1
    %add3A_173 = arith.addi %rem3A_164, %select_n3A_163 : i32
    %select_n3A_174 = arith.select %and3A_172, %add3A_173, %rem3A_164 : i32
    %get3A_175 = arith.index_cast %select_n3A_174 : i32 to index
    %get3A_176 = arith.constant 0 : index
    %get3A_177 = arith.constant 0 : index
    %get3A_178 = arith.constant 0 : index
    %get3A_179 = vector.load %arg7[%get3A_175, %get3A_176, %get3A_177, %get3A_178] : memref<2x8x196x768xbf16, #tpu.memory_space<vmem>>, vector<1x8x196x768xbf16>
    %get3A_180 = vector.shape_cast %get3A_179 : vector<1x8x196x768xbf16> to vector<8x196x768xbf16>
    %reshape3A = vector.shape_cast %get3A_180 : vector<8x196x768xbf16> to vector<1568x768xbf16>
    %get3A_181 = arith.constant 0 : index
    %get3A_182 = arith.constant 0 : index
    %get3A_183 = vector.load %arg3[%get3A_181, %get3A_182] : memref<768x768xbf16, #tpu.memory_space<vmem>>, vector<768x768xbf16>
    %dot_general3A = arith.constant dense<0.000000e+00> : vector<1568x768xf32>
    %dot_general3A_184 = tpu.matmul %reshape3A, %get3A_183, %dot_general3A {dimension_numbers = #tpu.dot_dimension_numbers<[1], [0], [0], [1], [0, 0, 1, 1], [], []>, transpose_lhs_hint = false} : vector<1568x768xbf16>, vector<768x768xbf16>, vector<1568x768xf32> -> vector<1568x768xf32>
    %get3A_185 = arith.constant 0 : index
    %get3A_186 = arith.constant 0 : index
    %get3A_187 = vector.load %arg4[%get3A_185, %get3A_186] : memref<1x768xf32, #tpu.memory_space<vmem>>, vector<1x768xf32>
    %add3A_188 = vector.broadcast %get3A_187 : vector<1x768xf32> to vector<1568x768xf32>
    %add3A_189 = arith.addf %dot_general3A_184, %add3A_188 : vector<1568x768xf32>
    %reshape3A_190 = vector.shape_cast %add3A_189 : vector<1568x768xf32> to vector<8x196x768xf32>
    %swap3A = arith.constant 0 : index
    %swap3A_191 = arith.constant 0 : index
    %swap3A_192 = arith.constant 0 : index
    %swap3A_193 = vector.load %arg6[%swap3A, %swap3A_191, %swap3A_192] : memref<8x392x768xf32, #tpu.memory_space<vmem>>, vector<8x196x768xf32>
    tpu.vector_store %arg6[%swap3A, %swap3A_191, %swap3A_192], %reshape3A_190 {strides = array<i32>} : memref<8x392x768xf32, #tpu.memory_space<vmem>>, vector<8x196x768xf32>,
    %get3A_194 = arith.constant 0 : index
    %get3A_195 = arith.constant 0 : index
    %get3A_196 = arith.constant 0 : index
    %get3A_197 = vector.load %arg2[%get3A_194, %get3A_195, %get3A_196] : memref<8x196x768xf32, #tpu.memory_space<vmem>>, vector<8x196x768xf32>
    %swap3A_198 = arith.constant 0 : index
    %swap3A_199 = arith.constant 196 : index
    %swap3A_200 = arith.constant 0 : index
    %swap3A_201 = vector.load %arg6[%swap3A_198, %swap3A_199, %swap3A_200] : memref<8x392x768xf32, #tpu.memory_space<vmem>>, vector<8x196x768xf32>
    tpu.vector_store %arg6[%swap3A_198, %swap3A_199, %swap3A_200], %get3A_197 {strides = array<i32>} : memref<8x392x768xf32, #tpu.memory_space<vmem>>, vector<8x196x768xf32>,
    return
  }
  func.func @transform_0(%arg0: i32, %arg1: memref<32xi32, #tpu.memory_space<smem>>) -> (i32, i32, i32) {
    %c0_i32 = arith.constant 0 : i32
    %c0_i32_0 = arith.constant 0 : i32
    %c0_i32_1 = arith.constant 0 : i32
    return %arg0, %c0_i32, %c0_i32_0 : i32, i32, i32
  }
  func.func @transform_1(%arg0: i32, %arg1: memref<32xi32, #tpu.memory_space<smem>>) -> (i32, i32) {
    %c0_i32 = arith.constant 0 : i32
    %c0_i32_0 = arith.constant 0 : i32
    %c0_i32_1 = arith.constant 0 : i32
    return %c0_i32, %c0_i32_0 : i32, i32
  }
  func.func @transform_2(%arg0: i32, %arg1: memref<32xi32, #tpu.memory_space<smem>>) -> (i32, i32) {
    %c0_i32 = arith.constant 0 : i32
    %c0_i32_0 = arith.constant 0 : i32
    %c0_i32_1 = arith.constant 0 : i32
    return %c0_i32, %c0_i32_0 : i32, i32
  }
  func.func @transform_4(%arg0: i32, %arg1: memref<32xi32, #tpu.memory_space<smem>>) -> (i32, i32, i32) {
    %c0_i32 = arith.constant 0 : i32
    %c0_i32_0 = arith.constant 0 : i32
    %c0_i32_1 = arith.constant 0 : i32
    return %arg0, %c0_i32, %c0_i32_0 : i32, i32, i32
  }
}

</mosaic_0001>

<sc_bundles>
// kernel: sparse-core-data-format-call.cloned.1.call-start
scs
called_computation_lowered:
.L_overlay_start_0:
0x0: {  	s1 =	sld [smem:$0x3FD9]  }
0x1: {  	s2 =	sld [smem:$0x3FFE];
	_ =	sdelay $0x1  }
0x2: {  	s3 =	srdreg.scid  }
0x3: {  	s0 =	sand.u32 $0x1, s3  }
0x4: {  	s17 =	sshll.u32 s0, $0xA;
	s1 =	sadd.s32 s2, s1  }
0x5: {  	s1 =	sadd.s32 s1, s17  }
0x6: {  	[smem:$0x3FC2] =	sst s1  }
0x7: {  	_ = 	snop  }
0x8: {  	(tm) =	ssettm $0x1  }
0x9: {  	s18 =	sld [smem:$0x3FFB];
	_ =	sdelay $0x3  }
0xa: {  	_ =	strace s18  }
0xb: {  	s1 =	sld [smem:$0x3FFC];
	_ =	sdelay $0x3  }
0xc: {  	_ =	strace s1  }
0xd: {  	s1 =	sld [smem:$0x3FFD];
	_ =	sdelay $0x3  }
0xe: {  	_ =	strace s1  }
0xf: {  	_ =	strace $0x8FFFFFFF  }
0x10: {  	s19 =	sld [smem:$0x3FDB];
	_ =	sdelay $0x1  }
0x11: {  	s20 =	simm.s32 $_scs_section_size  }
0x12: {  	s4 =	simm.s32 $_size__tile_overlayer_lowered;
	s5 =	simm.s32 $_tile_overlayer_lowered  }
0x13: {  	s23 =	simm.s32 $0x1BFF;
	s22 =	sshll.u32 s5, $0x1;
	s1 =	sadd.s32 s20, s19  }
0x14: {  	s6 =	simm.s32 $0x0;
	s21 =	sshll.u32 s4, $0x1;
	s4 =	sadd.s32 s22, s1  }
0x15: {  	[timem:s6], [sflag:s23] =	dma.local [hbm:s4], s21  }
0x16: {  	_ =	swait.ge [sflag:s23], s21  }
0x17: {  	s2 =	ssub.s32 $0x0, s21;
	[sflag:s23] =	ssyncset.done $0x0  }
0x18: {  	[sflag:s23] =	ssyncadd.s32 s2;
	_ =	sdelay $0x1  }
0x19: {  	s24 =	simm.s32 $0x1B8B  }
0x1a: {  	_ =	swait.ge [sflag:s24], $0x1  }
0x1b: {  	[sflag:s24] =	ssyncset.done $0x0  }
0x1c: {  	s26 =	simm.s32 $0x1B8E;
	s25 =	sld [smem:$0x3FFE];
	[sflag:s24] =	ssyncadd.s32 $0xFFFFFFFF  }
0x1d: {  	s27 =	simm.s32 $execute0_lowered;
	[smem:$0x3FD2] =	sst s26  }
0x1e: {  	s4 =	sshll.u32 s27, $0x1;
	_ =	strace $0x80000046;
	[dreg:$0x1] =	wrdreg $0xFFFFFFFF  }
0x1f: {  	s28 =	simm.s32 $_size_execute0_lowered;
	s1 =	sadd.s32 s1, s4;
	[dreg:$0x0] =	wrdreg $0x0  }
0x20: {  	s4 =	sshll.u32 s28, $0x1;
	[dreg:$0x2] =	wrdreg s1  }
0x21: {  	[dreg:$0x3] =	wrdreg s4  }
0x22: {  	[dreg:$0x4] =	wrdreg $0xC0  }
0x23: {  	_ =	task [dreg:s6], $0x5FFFF  }
0x24: {  	[dreg:$0x1] =	wrdreg $0xFFFFFFFF  }
0x25: {  	[dreg:$0x0] =	wrdreg $0x60  }
0x26: {  	[dreg:$0x2] =	wrdreg s25  }
0x27: {  	[dreg:$0x3] =	wrdreg $0x9  }
0x28: {  	_ =	task.clear_ibuf [dreg:s6], $0x4FFFF;
	_ =	strace $0x90000046  }
0x29: {  	s29 =	simm.s32 $0x9;
	_ =	strace $0x80000048  }
0x2a: {  	_ =	swait.ge [sflag:s29], $0x1  }
0x2b: {  	[sflag:s29] =	ssyncadd.s32 $0xFFFFFFFF  }
0x2c: {  	_ =	strace $0x90000048  }
0x2d: {  	_ =	sfence  }
0x2e: {  	s30 =	sld [smem:$0x0];
	_ =	sdelay $0x2  }
0x2f: {  	s31 =	sshll.u32 s3, $0xD;
	s3 =	sshrl.u32 s3, $0x2  }
0x30: {  	s2 =	sand.u32 $0x4000, s31;
	s1 =	sadd.s32 s3, s30  }
0x31: {  	s0 =	sor.u32 s2, s0;
	s1 =	sshll.u32 s1, $0x11  }
0x32: {  	s0 =	sor.u32 s1, s0  }
0x33: {  	s0 =	sadd.s32 $0x8F2B, s0  }
0x34: {  	[sflag:s0] =	ssyncadd.remote.s32 $0x1  }
0x35: {  	_ =	sfence.sel $0xFFFF  }
0x36: {  	[dreg:$0x0] =	wrdreg $0xFFFFFFFF;
	(pc) =	sbr.abs _section_cstart, $3  }
0x37: {  	[dreg:$0x1] =	wrdreg $0xFFFFFFFF  }
0x38: {  	_ =	task.clear_ibuf [dreg:s6], $0x2FFFF;
	_ =	strace $0x9FFFFFFF  }
0x39: {  	(tm) =	ssettm $0x7FFFFFFF  }
tec
execute0_lowered:
.L_overlay_start_1:
0x0: {  	(tag) =	ssettag $0x1  }
0x1: {  	s0 =	srdreg.scid  }
0x2: {  	s2 =	stileid.u32;
	s0 =	sshll.u32 s0, $0x4  }
0x3: {  	s0 =	sor.u32 s2, s0  }
0x4: {  	s29 =	rddreg [dreg:$0x0];
	_ =	strace $0x80000047;
	s0 =	sshrl.u32 s0, $0x1  }
0x5: {  	s30 =	simm.s32 $0x1;
	s31 =	simm.s32 $0x2;
	s6 =	sand.u32 $0xE, s0  }
0x6: {  	s15 =	simm.s32 $0x0;
	s16 =	simm.s32 $0x0;
	s0 =	ssub.s32 $0x10, s6  }
0x7: {  	s17 =	simm.s32 $0x0;
	s18 =	simm.s32 $0x0;
	s1 =	sand.u32 $0xE, s0  }
0x8: {  	s7 =	sand.u32 $0x3, s2;
	p0 =	sne.s32 s1, $0x0;
	s1 =	simm.s32 $0x1  }
0x9: {  	s2 =	ssub.s32 $0x11, s7;
	s0 =	sshrl.u32 s0, $0x4;
	s1 =	simm.s32 @!p0 $0x0  }
0xa: {  	s11 =	simm.s32 $0x0;
	s2 =	sshrl.u32 s2, $0x2;
	s0 =	sadd.s32 s1, s0  }
0xb: {  	s9 =	sadd.s32 $0x2000, s29;
	[smem:$0x7FA] =	sst s7;
	s0 =	smul.u32 s0, s2  }
.Ltmp0:
0xc: {  	s14 =	simm.s32 $0x0;
	[smem:$0x7FC] =	sst s9;
	(pc) =	sbr.rel .LBB1_1-.Ltmp0, $4  }
0xd: {  	[smem:$0x7F9] =	sst s6;
	s1 =	sadd.s32 $0x49A000, s29;
	s8 =	smul.u32 $0x15, s0  }
0xe: {  	s5 =	simm.s32 $0x0;
	[sflag:s30] =	ssyncpa.u1 $0x0;
	[smem:$0x7F8] =	sst s1  }
0xf: {  	[sflag:s31] =	ssyncpa.u1 $0x0;
	s10 =	sadd.s32 $0x1, s8;
	[smem:$0x7FB] =	sst s8  }
0x10: {  	s13 =	smov.u32 s7;
	s12 =	smov.u32 s6;
	[smem:$0x7FD] =	sst s10  }
.LBB1_9:
0x11: {  	s0 =	sadd.s32 $0x2, s11  }
0x12: {  	s1 =	sadd.s32 $0x10, s12;
	s2 =	smov.u32 s12;
	p1 =	sgt.s32 s0, $0xD  }
0x13: {  	s2 =	smov.u32 @p1 s1  }
0x14: {  	s3 =	smov.u32 s13;
	s1 =	sadd.s32 $0x4, s13;
	p2 =	sgt.s32 s2, $0xF  }
0x15: {  	s3 =	smov.u32 @p2 s1  }
0x16: {  	s1 =	simm.s32 $0x1;
	p3 =	sgt.s32 s3, $0xD  }
0x17: {  	s1 =	simm.s32 @!p3 $0x0  }
0x18: {  	s1 =	sadd.s32 s1, s14  }
0x19: {  	p0 =	slt.u32 s5, $0x2;
	s0 =	simm.s32 @p1 $0x0;
	p1 =	sgt.s32 s1, $0x2  }
0x1a: {  	s15 =	smov.u32 s11;
	s1 =	simm.s32 @p1 $0x0;
	p1 =	sne.s32 s5, s10  }
.Ltmp1:
0x1b: {  	s16 =	smov.u32 s12;
	s4 =	simm.s32 @!p0 $0x2;
	(pc) =	sbr.rel @!p1 .LBB1_10-.Ltmp1, $4  }
0x1c: {  	s17 =	smov.u32 s13;
	s18 =	smov.u32 s14;
	_ =	swait.ge @!p0 [sflag:s4], $0x4000  }
0x1d: {  	[sflag:s4] =	ssyncset.done @!p0 $0x0;
	s11 =	smov.u32 s0;
	s2 =	smov.u32 @p2 s6  }
0x1e: {  	[sflag:s4] =	ssyncadd.s32 @!p0 $0xFFFFC000;
	s12 =	smov.u32 s2;
	s3 =	smov.u32 @p3 s7  }
0x1f: {  	s13 =	smov.u32 s3;
	s5 =	sadd.s32 $0x1, s5;
	s14 =	smov.u32 s1  }
.LBB1_1:
0x20: {  	p0 =	sge.u32 s5, s8  }
0x21: {  	s0 =	smul.u32 @!p0 $0x188000, s14  }
0x22: {  	s1 =	smul.u32 @!p0 $0x1C000, s13  }
0x23: {  	s31 =	sadd.s32 $0xFFFFFFFF, s5;
	s2 =	smul.u32 @!p0 $0x1C00, s12;
	s0 =	sadd.s32 @!p0 s9, s0  }
0x24: {  	s3 =	sshll.u32 @!p0 s11, $0x9;
	s0 =	sadd.s32 @!p0 s1, s0;
	s1 =	sxor.u32 @!p0 $0xFFFFFFFF, s5  }
0x25: {  	s0 =	sadd.s32 @!p0 s2, s0;
	s1 =	sshll.u32 @!p0 s1, $0xE;
	s2 =	simm.s32 @!p0 $0x2000  }
0x26: {  	s0 =	sadd.s32 @!p0 s3, s0;
	s1 =	sand.u32 @!p0 $0x4000, s1;
	s3 =	simm.s32 @!p0 $0xE000  }
0x27: {  	[tilespmem:s1], [sflag:$0x1] =	stream.strided.gather @!p0 [hbm4b:s0+s2], $0x4000, s3, s2, $0x38;
	[tilespmem:$0x10000] =	vst v63  }
0x28: {  	p0 =	sge.u32 s31, s8  }
.Ltmp2:
0x29: {  	_ = 	snop;
	(pc) =	sbr.rel @p0 .LBB1_9-.Ltmp2, $1  }
0x2a: {  	_ =	sdelay $0x3  }
0x2b: {  	[smem:$0x7EE] =	sst s18  }
0x2c: {  	[smem:$0x7EF] =	sst s17  }
0x2d: {  	[smem:$0x7F0] =	sst s16  }
0x2e: {  	[smem:$0x7F1] =	sst s15  }
0x2f: {  	[smem:$0x7F2] =	sst s14  }
0x30: {  	[smem:$0x7F3] =	sst s13  }
0x31: {  	[smem:$0x7F4] =	sst s12  }
0x32: {  	[smem:$0x7F5] =	sst s11;
	s1 =	simm.s32 $0x1  }
0x33: {  	s0 =	sshll.u32 s5, $0xE;
	_ =	swait.ge [sflag:s1], $0x4000  }
0x34: {  	s26 =	simm.s32 $0x0;
	s14 =	sand.u32 $0x4000, s0;
	[smem:$0x7F6] =	sst s5  }
0x35: {  	[sflag:s1] =	ssyncset.done $0x0;
	s0 =	sor.u32 $0x8000, s14;
	[dreg:$0x2] =	wrdreg s14  }
0x36: {  	p1 =	por $0x1, $0x1;
	[sflag:s1] =	ssyncadd.s32 $0xFFFFC000;
	[smem:$0x7F7] =	sst s0  }
.LBB1_3:
0x37: {  	s1 =	sld [smem:$0x7F7];
	_ =	sdelay $0x1  }
0x38: {  	s0 =	sshra.s32 s26, $0x1  }
0x39: {  	p0 =	por p1, p1;
	[smem:$0x7ED] =	sst s26;
	s0 =	sadd.s32 s0, s1  }
0x3a: {  	p2 =	por $0x1, $0x1;
	s28 =	simm.s32 $0x0;
	[smem:$0x7EC] =	sst s0  }
.LBB1_4:
0x3b: {  	s0 =	sshll.u32 s28, $0xD;
	s11 =	simm.s32 $0x0;
	s1 =	sld [smem:$0x7EC]  }
0x3c: {  	s19 =	simm.s32 $0x0;
	s0 =	sand.u32 $0x3FFFE000, s0;
	s3 =	sand.u32 $0x100, s11  }
0x3d: {  	s18 =	sand.u32 $0x300, s11;
	s2 =	sand.u32 $0x3, s11;
	[dreg:$0x3] =	wrdreg s19  }
0x3e: {  	s11 =	sand.u32 $0x1000, s11;
	s30 =	sshrl.u32 s3, $0x1;
	s9 =	sor.u32 $0x20, s3  }
0x3f: {  	s4 =	sor.u32 $0x40, s3;
	s7 =	sshll.u32 s2, $0x8;
	s5 =	sor.u32 $0x60, s3  }
0x40: {  	s6 =	sor.u32 $0x80, s3;
	s25 =	sor.u32 s18, s11;
	s2 =	sshll.u32 s2, $0x9  }
0x41: {  	s8 =	sadd.s32 s0, s1;
	s10 =	sadd.s32 $0x0, s7;
	s1 =	sor.u32 $0xA0, s3  }
0x42: {  	s7 =	smov.u32 s14;
	s4 =	sshrl.u32 s4, $0x1;
	s5 =	sshrl.u32 s5, $0x1  }
0x43: {  	s6 =	sshrl.u32 s6, $0x1;
	s2 =	sadd.s32 $0x0, s2;
	s12 =	sor.u32 $0xCE0, s10  }
0x44: {  	s13 =	sor.u32 $0xC20, s10;
	s22 =	sor.u32 $0xC40, s10;
	s15 =	sor.u32 $0xC60, s10  }
0x45: {  	s16 =	sor.u32 $0xCA0, s10;
	s2 =	sand.u32 $0x2400, s2;
	s20 =	sshrl.u32 s12, $0x1  }
0x46: {  	s12 =	sand.u32 $0x1E0, s12;
	s23 =	sshrl.u32 s13, $0x1;
	s24 =	sshrl.u32 s22, $0x1  }
0x47: {  	s18 =	sshrl.u32 s15, $0x1;
	s17 =	sshrl.u32 s16, $0x1;
	s13 =	sand.u32 $0x120, s13  }
0x48: {  	s0 =	sand.u32 $0x140, s22;
	s2 =	sor.u32 $0x1800, s2;
	s11 =	sand.u32 $0xF00, s20  }
0x49: {  	s12 =	sshrl.u32 s12, $0x1;
	s18 =	sand.u32 $0xF00, s18;
	s17 =	sand.u32 $0xF00, s17  }
0x4a: {  	s13 =	sshrl.u32 s13, $0x1;
	s0 =	sshrl.u32 s0, $0x1;
	s21 =	sadd.s32 s11, s14  }
0x4b: {  	s31 =	sshrl.u32 s2, $0x2;
	s11 =	sadd.s32 s11, s8;
	s14 =	sadd.s32 s12, s21  }
0x4c: {  	s11 =	sadd.s32 s12, s11;
	s12 =	sand.u32 $0xF00, s24;
	[smem:$0x7D9] =	sst s14  }
0x4d: {  	s14 =	sor.u32 $0xC80, s10;
	s10 =	sor.u32 $0xCC0, s10;
	[smem:$0x7E0] =	sst s11  }
0x4e: {  	s11 =	sand.u32 $0xF00, s23;
	s29 =	sadd.s32 s12, s7;
	s22 =	sadd.s32 s12, s8  }
0x4f: {  	s23 =	sadd.s32 s18, s7;
	s19 =	sshrl.u32 s14, $0x1;
	s20 =	sshrl.u32 s10, $0x1  }
0x50: {  	s21 =	sadd.s32 s11, s7;
	s11 =	sadd.s32 s11, s8;
	s10 =	sand.u32 $0x1C0, s10  }
0x51: {  	s19 =	sand.u32 $0xF00, s19;
	s20 =	sand.u32 $0xF00, s20;
	s21 =	sadd.s32 s13, s21  }
0x52: {  	s11 =	sadd.s32 s13, s11;
	s10 =	sshrl.u32 s10, $0x1;
	[smem:$0x7DA] =	sst s21  }
0x53: {  	[smem:$0x7E4] =	sst s11;
	s21 =	sand.u32 $0x160, s15;
	s11 =	sadd.s32 s0, s29  }
0x54: {  	s29 =	sand.u32 $0x180, s14;
	s12 =	sadd.s32 s19, s7;
	s14 =	sand.u32 $0x1A0, s16  }
0x55: {  	s15 =	sadd.s32 s19, s8;
	[smem:$0x7DB] =	sst s11;
	s11 =	sadd.s32 s0, s22  }
0x56: {  	s24 =	sshrl.u32 s21, $0x1;
	s13 =	sshrl.u32 s29, $0x1;
	s19 =	sshrl.u32 s14, $0x1  }
0x57: {  	s22 =	sadd.s32 s17, s8;
	[smem:$0x7E5] =	sst s11;
	s0 =	sadd.s32 s24, s23  }
0x58: {  	s29 =	sadd.s32 s13, s12;
	s16 =	sadd.s32 s13, s15;
	[smem:$0x7DC] =	sst s0  }
0x59: {  	s23 =	sadd.s32 s19, s22;
	s0 =	sadd.s32 s18, s8;
	[smem:$0x7E7] =	sst s16  }
0x5a: {  	s18 =	sadd.s32 s17, s7;
	[smem:$0x7E8] =	sst s23;
	s16 =	sshrl.u32 s9, $0x1  }
0x5b: {  	s11 =	sadd.s32 s24, s0;
	s21 =	sadd.s32 s19, s18;
	s24 =	sadd.s32 s20, s7  }
0x5c: {  	s0 =	sadd.s32 s20, s8;
	s18 =	sadd.s32 s31, s7;
	[smem:$0x7E6] =	sst s11  }
0x5d: {  	[smem:$0x7DD] =	sst s21;
	s23 =	sadd.s32 s10, s24;
	s9 =	sadd.s32 s10, s0  }
0x5e: {  	s10 =	sor.u32 $0xC0, s3;
	s3 =	sor.u32 $0xE0, s3;
	s11 =	sshll.u32 s25, $0x1  }
0x5f: {  	s0 =	sshrl.u32 s1, $0x1;
	[smem:$0x7E9] =	sst s9;
	s12 =	sand.u32 $0x2400, s11  }
0x60: {  	s17 =	sshrl.u32 s10, $0x1;
	s22 =	sshrl.u32 s3, $0x1;
	s13 =	sor.u32 $0x800, s12  }
0x61: {  	s14 =	sor.u32 $0x1000, s12;
	s1 =	sshrl.u32 s12, $0x2;
	s20 =	sshrl.u32 s13, $0x2  }
0x62: {  	s10 =	sshrl.u32 s14, $0x2;
	s21 =	sadd.s32 s1, s7;
	s1 =	sadd.s32 s1, s8  }
0x63: {  	s15 =	sadd.s32 s20, s7;
	s3 =	sadd.s32 s10, s7;
	s9 =	sadd.s32 s30, s21  }
0x64: {  	s12 =	sadd.s32 s16, s21;
	s13 =	sadd.s32 s4, s21;
	s14 =	sadd.s32 s5, s21  }
0x65: {  	s24 =	sadd.s32 s17, s21;
	s20 =	sadd.s32 s20, s8;
	s10 =	sadd.s32 s10, s8  }
0x66: {  	s11 =	sadd.s32 s30, s1;
	s16 =	sadd.s32 s16, s1;
	[smem:$0x7DE] =	sst s24  }
0x67: {  	s4 =	sadd.s32 s4, s1;
	s2 =	sadd.s32 s30, s15;
	[smem:$0x7EA] =	sst s11  }
0x68: {  	s19 =	sadd.s32 s30, s3;
	s3 =	sadd.s32 s30, s18;
	[smem:$0x7EB] =	sst s16  }
0x69: {  	s15 =	sadd.s32 s6, s21;
	s24 =	sadd.s32 s22, s21;
	[dreg:$0x14] =	wrdreg s4  }
0x6a: {  	s18 =	sadd.s32 s0, s21;
	s21 =	sadd.s32 s30, s20;
	[smem:$0x7DF] =	sst s24  }
0x6b: {  	s27 =	sadd.s32 s31, s8;
	s10 =	sadd.s32 s30, s10;
	[smem:$0x7E1] =	sst s21  }
0x6c: {  	s20 =	sadd.s32 s5, s1;
	s0 =	sadd.s32 s0, s1;
	[smem:$0x7E2] =	sst s10  }
0x6d: {  	s16 =	sadd.s32 s22, s1;
	s24 =	sadd.s32 s30, s27;
	[dreg:$0x13] =	wrdreg s20  }
0x6e: {  	s21 =	sadd.s32 s6, s1;
	[dreg:$0x10] =	wrdreg s0;
	s0 =	sor.u32 $0x440, s25  }
0x6f: {  	s6 =	sor.u32 $0x460, s25;
	s27 =	sor.u32 $0x4A0, s25;
	[smem:$0x7E3] =	sst s24  }
0x70: {  	[dreg:$0x12] =	wrdreg s21;
	s21 =	sadd.s32 s17, s1;
	s24 =	sor.u32 $0x420, s25  }
0x71: {  	s11 =	sshrl.u32 s0, $0x1;
	s1 =	sand.u32 $0x140, s0;
	s10 =	sshrl.u32 s24, $0x1  }
0x72: {  	s4 =	sand.u32 $0x120, s24;
	s17 =	sand.u32 $0xB00, s11;
	s1 =	sshrl.u32 s1, $0x1  }
0x73: {  	s5 =	sand.u32 $0xB00, s10;
	s4 =	sshrl.u32 s4, $0x1;
	s24 =	sadd.s32 s17, s7  }
0x74: {  	s22 =	sadd.s32 s5, s7;
	s5 =	sadd.s32 s5, s8;
	s11 =	sadd.s32 s1, s24  }
0x75: {  	s24 =	sshrl.u32 s6, $0x1;
	s10 =	sadd.s32 s4, s22;
	s20 =	sadd.s32 s4, s5  }
0x76: {  	s5 =	sadd.s32 s17, s8;
	s22 =	sshll.u32 s28, $0xC;
	s4 =	sand.u32 $0xB00, s24  }
0x77: {  	s17 =	sadd.s32 s1, s5;
	s1 =	sor.u32 s26, s22;
	s5 =	sand.u32 $0x160, s6  }
0x78: {  	s22 =	sor.u32 $0x480, s25;
	s6 =	sadd.s32 s4, s7;
	s24 =	sadd.s32 s4, s8  }
0x79: {  	s28 =	sshrl.u32 s5, $0x1;
	v0 =	vmov s1;
	s26 =	sshrl.u32 s22, $0x1;
	s5 =	sand.u32 $0x180, s22  }
0x7a: {  	s6 =	sadd.s32 s28, s6;
	s24 =	sadd.s32 s28, s24;
	s28 =	sand.u32 $0xB00, s26  }
0x7b: {  	s4 =	sld [smem:$0x7D9];
	s0 =	sshrl.u32 s5, $0x1;
	s22 =	sadd.s32 s28, s7  }
0x7c: {  	s26 =	sshrl.u32 s27, $0x1;
	s1 =	sadd.s32 s28, s8;
	s5 =	sadd.s32 s0, s22  }
0x7d: {  	s30 =	sadd.s32 s0, s1;
	s1 =	sand.u32 $0xB00, s26;
	s26 =	sor.u32 $0x4C0, s25  }
0x7e: {  	s0 =	sand.u32 $0x1C0, s26;
	v7 =	vld.idx.msk [tilespmem:v0+s4+$0x0 ss:$0x1], $0xffff;
	s4 =	sshrl.u32 s26, $0x1;
	s26 =	sld [smem:$0x7DA]  }
0x7f: {  	s27 =	sand.u32 $0x1A0, s27  }
0x80: {  	s22 =	sshrl.u32 s27, $0x1;
	s27 =	sadd.s32 s1, s7;
	v8 =	vld.idx.msk [tilespmem:v0+s2+$0x0 ss:$0x1], $0xffff  }
0x81: {  	s1 =	sadd.s32 s1, s8;
	s27 =	sadd.s32 s22, s27;
	v12 =	vld.idx.msk [tilespmem:v0+s26+$0x0 ss:$0x1], $0xffff;
	s26 =	sld [smem:$0x7DB]  }
0x82: {  	v10 =	vld.idx.msk [tilespmem:v0+s19+$0x0 ss:$0x1], $0xffff;
	s19 =	sadd.s32 s22, s1;
	s0 =	sshrl.u32 s0, $0x1;
	s2 =	sand.u32 $0xB00, s4  }
0x83: {  	v11 =	vld.idx.msk [tilespmem:v0+s3+$0x0 ss:$0x1], $0xffff;
	s3 =	sor.u32 $0x4E0, s25;
	s22 =	sadd.s32 s2, s7;
	s2 =	sadd.s32 s2, s8  }
0x84: {  	s28 =	sshrl.u32 s3, $0x1;
	s4 =	sadd.s32 s0, s22;
	v13 =	vld.idx.msk [tilespmem:v0+s26+$0x0 ss:$0x1], $0xffff;
	s26 =	sadd.s32 s0, s2  }
0x85: {  	s0 =	sand.u32 $0xB00, s28;
	s28 =	sand.u32 $0x1E0, s3;
	s3 =	sld [smem:$0x7DC]  }
0x86: {  	v17 =	vld.idx.msk [tilespmem:v0+s23+$0x0 ss:$0x1], $0xffff;
	s23 =	sor.u32 $0x840, s25  }
0x87: {  	v19 =	vld.idx.msk [tilespmem:v0+s12+$0x0 ss:$0x1], $0xffff;
	s12 =	sand.u32 $0x140, s23;
	s1 =	sshrl.u32 s28, $0x1  }
0x88: {  	s22 =	sadd.s32 s0, s7;
	s28 =	sld [smem:$0x7DD];
	v14 =	vld.idx.msk [tilespmem:v0+s3+$0x0 ss:$0x1], $0xffff;
	s3 =	sor.u32 $0x820, s25  }
0x89: {  	v15 =	vld.idx.msk [tilespmem:v0+s29+$0x0 ss:$0x1], $0xffff;
	s0 =	sadd.s32 s0, s8;
	s2 =	sadd.s32 s1, s22;
	s29 =	sshrl.u32 s3, $0x1  }
0x8a: {  	s31 =	sadd.s32 s1, s0;
	s3 =	sand.u32 $0x120, s3;
	s29 =	sand.u32 $0xD00, s29  }
0x8b: {  	v16 =	vld.idx.msk [tilespmem:v0+s28+$0x0 ss:$0x1], $0xffff;
	s28 =	sshrl.u32 s23, $0x1;
	s1 =	sshrl.u32 s3, $0x1;
	s22 =	sadd.s32 s29, s7  }
0x8c: {  	s0 =	sadd.s32 s29, s8;
	s29 =	sand.u32 $0xD00, s28;
	s3 =	sadd.s32 s1, s22  }
0x8d: {  	s22 =	sadd.s32 s1, s0;
	s1 =	sshrl.u32 s12, $0x1;
	s23 =	sadd.s32 s29, s7  }
0x8e: {  	v1 =	vld.idx.msk [tilespmem:v0+s13+$0x0 ss:$0x1], $0xffff;
	s13 =	sadd.s32 s1, s23;
	s23 =	sld [smem:$0x7DE]  }
0x8f: {  	v18 =	vld.idx.msk [tilespmem:v0+s9+$0x0 ss:$0x1], $0xffff;
	s9 =	sor.u32 $0x860, s25  }
0x90: {  	v2 =	vld.idx.msk [tilespmem:v0+s14+$0x0 ss:$0x1], $0xffff;
	s28 =	sshrl.u32 s9, $0x1;
	s0 =	sadd.s32 s29, s8  }
0x91: {  	s29 =	sand.u32 $0xD00, s28;
	s14 =	sadd.s32 s1, s0;
	v5 =	vld.idx.msk [tilespmem:v0+s23+$0x0 ss:$0x1], $0xffff;
	s23 =	sld [smem:$0x7E0]  }
0x92: {  	s12 =	sadd.s32 s29, s7;
	s0 =	sadd.s32 s29, s8;
	s29 =	sld [smem:$0x7DF]  }
0x93: {  	_ = 	snop  }
0x94: {  	v3 =	vld.idx.msk [tilespmem:v0+s15+$0x0 ss:$0x1], $0xffff;
	s15 =	sand.u32 $0x160, s9;
	s9 =	sor.u32 $0x880, s25;
	[tilespmem:s23+$0x0] =	vst v7  }
0x95: {  	s28 =	sshrl.u32 s9, $0x1;
	v6 =	vld.idx.msk [tilespmem:v0+s29+$0x0 ss:$0x1], $0xffff;
	s29 =	sld [smem:$0x7E1]  }
0x96: {  	s1 =	sshrl.u32 s15, $0x1;
	s15 =	smov.u32 s16;
	s16 =	sand.u32 $0x180, s9  }
0x97: {  	v4 =	vld.idx.msk [tilespmem:v0+s18+$0x0 ss:$0x1], $0xffff;
	s18 =	sadd.s32 s1, s12;
	s12 =	sadd.s32 s1, s0;
	s0 =	sand.u32 $0xD00, s28  }
0x98: {  	s1 =	sshrl.u32 s16, $0x1;
	s28 =	sadd.s32 s0, s7;
	[tilespmem:s29+$0x0] =	vst v8  }
0x99: {  	s23 =	sadd.s32 s1, s28;
	s28 =	sld [smem:$0x7E2];
	_ =	sdelay $0x2  }
0x9a: {  	[tilespmem:s28+$0x0] =	vst v10  }
0x9b: {  	v7 =	vld.idx.msk [tilespmem:v0+s10+$0x0 ss:$0x1], $0xffff;
	s10 =	sld [smem:$0x7E3];
	_ =	sdelay $0x2  }
0x9c: {  	[tilespmem:s10+$0x0] =	vst v11  }
0x9d: {  	s28 =	sld [smem:$0x7E4];
	_ =	sdelay $0x2  }
0x9e: {  	[tilespmem:s28+$0x0] =	vst v12  }
0x9f: {  	v9 =	vld.idx.msk [tilespmem:v0+s6+$0x0 ss:$0x1], $0xffff;
	s6 =	sld [smem:$0x7E5];
	_ =	sdelay $0x2  }
0xa0: {  	[tilespmem:s6+$0x0] =	vst v13  }
0xa1: {  	s28 =	sld [smem:$0x7E6];
	_ =	sdelay $0x2  }
0xa2: {  	s9 =	sor.u32 $0x8A0, s25;
	s0 =	sadd.s32 s0, s8;
	[tilespmem:s28+$0x0] =	vst v14  }
0xa3: {  	v8 =	vld.idx.msk [tilespmem:v0+s11+$0x0 ss:$0x1], $0xffff;
	s11 =	sshrl.u32 s9, $0x1;
	s9 =	sand.u32 $0x1A0, s9;
	s6 =	sld [smem:$0x7E7]  }
0xa4: {  	s16 =	sadd.s32 s1, s0;
	s29 =	sand.u32 $0xD00, s11;
	s1 =	sshrl.u32 s9, $0x1  }
0xa5: {  	s11 =	sadd.s32 s29, s7;
	s0 =	sadd.s32 s29, s8;
	v10 =	vld.idx.msk [tilespmem:v0+s5+$0x0 ss:$0x1], $0xffff;
	s5 =	sor.u32 $0x8C0, s25  }
0xa6: {  	v11 =	vld.idx.msk [tilespmem:v0+s27+$0x0 ss:$0x1], $0xffff;
	s27 =	smov.u32 s20;
	s10 =	sadd.s32 s1, s11;
	s11 =	sand.u32 $0x1C0, s5;
	[tilespmem:s6+$0x0] =	vst v15  }
0xa7: {  	s20 =	sadd.s32 s1, s0;
	s1 =	sshrl.u32 s11, $0x1;
	s11 =	sld [smem:$0x7E8]  }
0xa8: {  	_ =	sdelay $0x1  }
0xa9: {  	[tilespmem:s11+$0x0] =	vst v16  }
0xaa: {  	s28 =	sld [smem:$0x7E9]  }
0xab: {  	s29 =	sshrl.u32 s5, $0x1  }
0xac: {  	s9 =	sand.u32 $0xD00, s29;
	v12 =	vld.idx.msk [tilespmem:v0+s4+$0x0 ss:$0x1], $0xffff  }
0xad: {  	s0 =	sadd.s32 s9, s8;
	v13 =	vld.idx.msk [tilespmem:v0+s2+$0x0 ss:$0x1], $0xffff;
	[tilespmem:s28+$0x0] =	vst v17  }
0xae: {  	v14 =	vld.idx.msk [tilespmem:v0+s3+$0x0 ss:$0x1], $0xffff;
	s11 =	sadd.s32 s1, s0;
	s0 =	sld [smem:$0x7EA]  }
0xaf: {  	v15 =	vld.idx.msk [tilespmem:v0+s13+$0x0 ss:$0x1], $0xffff  }
0xb0: {  	p1 =	por p2, p2;
	s29 =	sor.u32 $0x8E0, s25;
	v16 =	vld.idx.msk [tilespmem:v0+s18+$0x0 ss:$0x1], $0xffff;
	[dreg:$0x4] =	wrdreg s8  }
0xb1: {  	s25 =	sand.u32 $0x1E0, s29;
	s5 =	sadd.s32 s9, s7;
	s9 =	sshrl.u32 s29, $0x1;
	[tilespmem:s0+$0x0] =	vst v18  }
0xb2: {  	s3 =	sshrl.u32 s25, $0x1;
	s13 =	sand.u32 $0xD00, s9;
	s0 =	sld [smem:$0x7EB]  }
0xb3: {  	s6 =	sadd.s32 s1, s5;
	s29 =	sadd.s32 s13, s7;
	s1 =	sadd.s32 s13, s8  }
0xb4: {  	s9 =	simm.s32 $0x0;
	s4 =	sadd.s32 s3, s29;
	s18 =	sadd.s32 s3, s1;
	v17 =	vld.idx.msk [tilespmem:v0+s23+$0x0 ss:$0x1], $0xffff  }
0xb5: {  	s1 =	simm.s32 $0x0;
	v18 =	vld.idx.msk [tilespmem:v0+s10+$0x0 ss:$0x1], $0xffff;
	s10 =	simm.s32 $0x0;
	[tilespmem:s0+$0x0] =	vst v19;
	s0 =	simm.s32 $0x100  }
.LBB1_5:
0xb6: {  	[dreg:$0x6] =	wrdreg s0  }
0xb7: {  	s25 =	rddreg [dreg:$0x14]  }
0xb8: {  	s28 =	rddreg [dreg:$0x3]  }
0xb9: {  	s7 =	rddreg [dreg:$0x13]  }
0xba: {  	s13 =	rddreg [dreg:$0x12];
	s9 =	sadd.s32 $0x1, s9  }
0xbb: {  	s1 =	sadd.s32 $0x2, s1;
	[dreg:$0x7] =	wrdreg s9  }
0xbc: {  	s5 =	sand.u32 $0x100, s0;
	s10 =	sadd.s32 $0x400, s10;
	[dreg:$0x5] =	wrdreg s1  }
0xbd: {  	s3 =	sand.u32 $0x300, s0;
	s2 =	sshrl.u32 s5, $0x1;
	[dreg:$0x8] =	wrdreg s10  }
0xbe: {  	s0 =	sadd.s32 $0x800, s28;
	s29 =	sor.u32 $0x20, s5;
	[dreg:$0xf] =	wrdreg s2  }
0xbf: {  	s23 =	sor.u32 $0x60, s5;
	s2 =	sshrl.u32 s29, $0x1;
	s29 =	rddreg [dreg:$0x10]  }
0xc0: {  	[tilespmem:s25+$0x0] =	vst v1;
	s25 =	sor.u32 $0x80, s5;
	s8 =	sor.u32 $0xA0, s5;
	[dreg:$0x3] =	wrdreg s0  }
0xc1: {  	[tilespmem:s7+$0x0] =	vst v2;
	v2 =	vld.idx.msk [tilespmem:v0+s4+$0x0 ss:$0x1], $0xffff;
	s28 =	sor.u32 $0xC0, s5;
	s4 =	sshrl.u32 s23, $0x1;
	[dreg:$0x9] =	wrdreg s2  }
0xc2: {  	[tilespmem:s13+$0x0] =	vst v3;
	p2 =	slt.u32 s1, $0xE;
	s13 =	sshrl.u32 s25, $0x1;
	[dreg:$0xe] =	wrdreg s4  }
0xc3: {  	v1 =	vld.idx.msk [tilespmem:v0+s6+$0x0 ss:$0x1], $0xffff;
	s6 =	sor.u32 $0x40, s5;
	s23 =	sshrl.u32 s8, $0x1;
	[dreg:$0xa] =	wrdreg s13  }
0xc4: {  	s5 =	sor.u32 $0xE0, s5;
	s6 =	sshrl.u32 s6, $0x1;
	[dreg:$0xb] =	wrdreg s23  }
0xc5: {  	s25 =	sand.u32 $0x3, s9;
	s2 =	sshrl.u32 s28, $0x1;
	[dreg:$0xd] =	wrdreg s6  }
0xc6: {  	[tilespmem:s29+$0x0] =	vst v4;
	s28 =	sshrl.u32 s5, $0x1;
	s29 =	sshll.u32 s25, $0x8;
	[dreg:$0xc] =	wrdreg s2  }
0xc7: {  	[dreg:$0x11] =	wrdreg s28;
	s2 =	sshll.u32 s25, $0x9;
	s6 =	sand.u32 $0x1000, s10  }
0xc8: {  	s1 =	sadd.s32 s29, s10;
	s2 =	sadd.s32 s2, s0;
	s29 =	sor.u32 s3, s6  }
0xc9: {  	s7 =	sor.u32 $0xCE0, s1;
	s3 =	sor.u32 $0xC20, s1;
	s0 =	rddreg [dreg:$0x2]  }
0xca: {  	s6 =	sor.u32 $0xC60, s1;
	s8 =	sshrl.u32 s7, $0x1;
	[smem:$0x777] =	sst s3  }
0xcb: {  	s9 =	sand.u32 $0x1E0, s7;
	[smem:$0x779] =	sst s6;
	s7 =	sor.u32 $0xC80, s1  }
0xcc: {  	[tilespmem:s15+$0x0] =	vst v6;
	s15 =	sor.u32 $0x440, s29;
	[smem:$0x77A] =	sst s7  }
0xcd: {  	[tilespmem:s17+$0x0] =	vst v8;
	s17 =	sor.u32 $0x460, s29;
	[smem:$0x77E] =	sst s15  }
0xce: {  	[tilespmem:s12+$0x0] =	vst v16;
	s12 =	sor.u32 $0x480, s29;
	[smem:$0x77F] =	sst s17  }
0xcf: {  	[tilespmem:s22+$0x0] =	vst v14;
	s22 =	sor.u32 $0x4A0, s29;
	[smem:$0x780] =	sst s12  }
0xd0: {  	[tilespmem:s21+$0x0] =	vst v5;
	s23 =	sor.u32 $0x4C0, s29;
	[smem:$0x781] =	sst s22  }
0xd1: {  	[tilespmem:s16+$0x0] =	vst v17;
	s16 =	sor.u32 $0x4E0, s29;
	[smem:$0x782] =	sst s23  }
0xd2: {  	[tilespmem:s24+$0x0] =	vst v9;
	s4 =	sshll.u32 s29, $0x1;
	s24 =	sor.u32 $0x820, s29;
	[smem:$0x783] =	sst s16  }
0xd3: {  	[tilespmem:s26+$0x0] =	vst v12;
	s21 =	sand.u32 $0x2400, s2;
	s25 =	sor.u32 $0x840, s29;
	[smem:$0x784] =	sst s24  }
0xd4: {  	[tilespmem:s20+$0x0] =	vst v18;
	s20 =	sor.u32 $0x860, s29;
	s26 =	sor.u32 $0x880, s29;
	[smem:$0x785] =	sst s25  }
0xd5: {  	[tilespmem:s19+$0x0] =	vst v11;
	s2 =	sand.u32 $0x2400, s4;
	s19 =	sand.u32 $0xF00, s8;
	[smem:$0x786] =	sst s20  }
0xd6: {  	s28 =	sshrl.u32 s9, $0x1;
	s4 =	sor.u32 $0xC40, s1;
	[smem:$0x787] =	sst s26  }
0xd7: {  	s8 =	sor.u32 $0xCA0, s1;
	s9 =	sor.u32 $0xCC0, s1;
	s1 =	rddreg [dreg:$0x4]  }
0xd8: {  	[smem:$0x778] =	sst s4  }
0xd9: {  	[tilespmem:s30+$0x0] =	vst v10;
	[smem:$0x77B] =	sst s8  }
0xda: {  	[tilespmem:s11+$0x0] =	vst v1;
	s11 =	sor.u32 $0x8C0, s29;
	[smem:$0x77C] =	sst s9  }
0xdb: {  	[tilespmem:s14+$0x0] =	vst v15;
	s30 =	sor.u32 $0x8A0, s29;
	s10 =	sadd.s32 s19, s0;
	[smem:$0x788] =	sst s11  }
0xdc: {  	[tilespmem:s18+$0x0] =	vst v2;
	s14 =	sadd.s32 s19, s1;
	[smem:$0x776] =	sst s2;
	s18 =	sor.u32 $0x1000, s2  }
0xdd: {  	[tilespmem:s31+$0x0] =	vst v13;
	s19 =	sshrl.u32 s4, $0x1;
	s31 =	sshrl.u32 s8, $0x1;
	s4 =	sshrl.u32 s15, $0x1  }
0xde: {  	s15 =	sshrl.u32 s12, $0x1;
	s8 =	sshrl.u32 s23, $0x1;
	s12 =	sshrl.u32 s16, $0x1  }
0xdf: {  	s23 =	sshrl.u32 s20, $0x1;
	s13 =	sadd.s32 s28, s10;
	s10 =	sor.u32 $0x420, s29  }
0xe0: {  	s5 =	sadd.s32 s28, s14;
	s14 =	sor.u32 $0x800, s2;
	s2 =	sor.u32 $0x8E0, s29  }
0xe1: {  	s29 =	sshrl.u32 s7, $0x1;
	s7 =	sshrl.u32 s22, $0x1;
	[smem:$0x77D] =	sst s10  }
0xe2: {  	s22 =	sshrl.u32 s24, $0x1;
	s16 =	sshrl.u32 s18, $0x2;
	[smem:$0x789] =	sst s2  }
0xe3: {  	s20 =	sshrl.u32 s14, $0x2;
	[dreg:$0x15] =	wrdreg s16;
	s14 =	sand.u32 $0xB00, s4  }
0xe4: {  	s4 =	sand.u32 $0xB00, s8;
	s8 =	sand.u32 $0xD00, s22;
	s22 =	sld [smem:$0x77A]  }
0xe5: {  	[smem:$0x7A9] =	sst s20  }
0xe6: {  	[tilespmem:s27+$0x0] =	vst v7;
	s27 =	sshrl.u32 s11, $0x1;
	s11 =	sand.u32 $0xB00, s7;
	[smem:$0x7B1] =	sst s14  }
0xe7: {  	s26 =	sshrl.u32 s26, $0x1;
	[smem:$0x7B4] =	sst s11  }
0xe8: {  	s28 =	sshrl.u32 s6, $0x1;
	s16 =	sand.u32 $0xB00, s12;
	[smem:$0x7B5] =	sst s4  }
0xe9: {  	s24 =	sshrl.u32 s25, $0x1;
	v3 =	vld.idx.msk [tilespmem:v0+s13+$0x0 ss:$0x1], $0xffff;
	s13 =	sshrl.u32 s3, $0x1;
	[dreg:$0x1e] =	wrdreg s16  }
0xea: {  	s3 =	sshrl.u32 s10, $0x1;
	s12 =	sand.u32 $0xD00, s23;
	[dreg:$0x1f] =	wrdreg s8  }
0xeb: {  	s10 =	sshrl.u32 s17, $0x1;
	s7 =	sand.u32 $0xD00, s27;
	[dreg:$0x1b] =	wrdreg s12  }
0xec: {  	s18 =	sand.u32 $0xF00, s13;
	s6 =	sand.u32 $0xB00, s10;
	[dreg:$0x19] =	wrdreg s7  }
0xed: {  	s10 =	sand.u32 $0xB00, s15;
	s15 =	sand.u32 $0xD00, s26;
	s26 =	sld [smem:$0x778]  }
0xee: {  	s13 =	sand.u32 $0xB00, s3;
	s3 =	sand.u32 $0xD00, s24;
	s24 =	sld [smem:$0x77B]  }
0xef: {  	[dreg:$0x17] =	wrdreg s18  }
0xf0: {  	[smem:$0x7B0] =	sst s13  }
0xf1: {  	[smem:$0x7B2] =	sst s6  }
0xf2: {  	[smem:$0x7B3] =	sst s10  }
0xf3: {  	[smem:$0x7B7] =	sst s3  }
0xf4: {  	s20 =	sadd.s32 s20, s0;
	[dreg:$0x1c] =	wrdreg s15  }
0xf5: {  	s4 =	sadd.s32 s4, s0;
	[smem:$0x795] =	sst s20  }
0xf6: {  	s18 =	sand.u32 $0xF00, s31;
	[smem:$0x7A2] =	sst s4  }
0xf7: {  	s13 =	sadd.s32 s13, s0;
	[smem:$0x7AE] =	sst s18  }
0xf8: {  	s6 =	sadd.s32 s6, s0;
	[smem:$0x79D] =	sst s13  }
0xf9: {  	s10 =	sadd.s32 s10, s0;
	[smem:$0x79F] =	sst s6  }
0xfa: {  	s3 =	sadd.s32 s3, s0;
	[smem:$0x7A0] =	sst s10  }
0xfb: {  	s18 =	sadd.s32 s18, s0;
	[smem:$0x7A5] =	sst s3  }
0xfc: {  	s13 =	sadd.s32 s11, s0;
	[smem:$0x79C] =	sst s18  }
0xfd: {  	s25 =	sshrl.u32 s30, $0x1;
	[smem:$0x7A1] =	sst s13  }
0xfe: {  	s18 =	sadd.s32 s15, s0;
	[tilespmem:s5+$0x0] =	vst v3;
	s5 =	sor.u32 $0x1800, s21;
	s21 =	sshrl.u32 s9, $0x1  }
0xff: {  	s9 =	sshrl.u32 s2, $0x1;
	s2 =	sand.u32 $0xD00, s25;
	s25 =	sld [smem:$0x777]  }
0x100: {  	[smem:$0x7A7] =	sst s18  }
0x101: {  	s17 =	sshrl.u32 s5, $0x2;
	[dreg:$0x1d] =	wrdreg s2  }
0x102: {  	s5 =	sand.u32 $0xF00, s19;
	s19 =	sand.u32 $0xF00, s29;
	s29 =	sld [smem:$0x779]  }
0x103: {  	[dreg:$0x16] =	wrdreg s17  }
0x104: {  	[smem:$0x7AC] =	sst s5  }
0x105: {  	[dreg:$0x18] =	wrdreg s19  }
0x106: {  	s9 =	sand.u32 $0xD00, s9;
	s19 =	sand.u32 $0xF00, s21;
	s21 =	sld [smem:$0x776]  }
0x107: {  	s2 =	sadd.s32 s2, s0;
	[dreg:$0x1a] =	wrdreg s9  }
0x108: {  	s17 =	sand.u32 $0xF00, s28;
	[smem:$0x7A8] =	sst s2  }
0x109: {  	[smem:$0x7AD] =	sst s17  }
0x10a: {  	s5 =	sadd.s32 s5, s0;
	[smem:$0x7AF] =	sst s19  }
0x10b: {  	s23 =	sand.u32 $0x120, s25;
	s25 =	sand.u32 $0x180, s22;
	s22 =	sld [smem:$0x77E]  }
0x10c: {  	[smem:$0x799] =	sst s5;
	s2 =	sshrl.u32 s23, $0x1  }
0x10d: {  	s28 =	sshrl.u32 s21, $0x2;
	s21 =	sand.u32 $0x140, s26;
	s26 =	sld [smem:$0x77C]  }
0x10e: {  	[smem:$0x7B9] =	sst s2  }
0x10f: {  	[smem:$0x78A] =	sst s21  }
0x110: {  	s21 =	sand.u32 $0x160, s29;
	s29 =	sld [smem:$0x77D]  }
0x111: {  	[smem:$0x78B] =	sst s21  }
0x112: {  	s21 =	sand.u32 $0x1A0, s24;
	s23 =	sld [smem:$0x78A]  }
0x113: {  	[smem:$0x78C] =	sst s21  }
0x114: {  	s21 =	sand.u32 $0x1C0, s26;
	s26 =	sld [smem:$0x77F]  }
0x115: {  	s3 =	sld [smem:$0x78B]  }
0x116: {  	[smem:$0x78D] =	sst s21  }
0x117: {  	s24 =	sand.u32 $0x120, s29;
	s29 =	sld [smem:$0x780]  }
0x118: {  	s21 =	sand.u32 $0x140, s22;
	s22 =	sld [smem:$0x781]  }
0x119: {  	[smem:$0x78E] =	sst s21  }
0x11a: {  	s21 =	sand.u32 $0x160, s26;
	s26 =	sld [smem:$0x782]  }
0x11b: {  	[smem:$0x78F] =	sst s21;
	s21 =	sand.u32 $0x1A0, s22  }
0x11c: {  	[smem:$0x790] =	sst s21  }
0x11d: {  	s21 =	sand.u32 $0x1C0, s26;
	s26 =	sld [smem:$0x784]  }
0x11e: {  	s4 =	sld [smem:$0x78C]  }
0x11f: {  	[smem:$0x791] =	sst s21  }
0x120: {  	s21 =	sand.u32 $0x120, s26;
	s26 =	sld [smem:$0x785]  }
0x121: {  	s15 =	sshrl.u32 s23, $0x1;
	s6 =	sld [smem:$0x78D]  }
0x122: {  	[smem:$0x7BB] =	sst s15  }
0x123: {  	s29 =	sand.u32 $0x180, s29;
	s31 =	sand.u32 $0x140, s26;
	s26 =	sld [smem:$0x786]  }
0x124: {  	s22 =	sld [smem:$0x783];
	s11 =	sshrl.u32 s29, $0x1  }
0x125: {  	[smem:$0x7C7] =	sst s11  }
0x126: {  	s27 =	sand.u32 $0x160, s26;
	s26 =	sld [smem:$0x787]  }
0x127: {  	s10 =	sld [smem:$0x790]  }
0x128: {  	s13 =	sld [smem:$0x791]  }
0x129: {  	[smem:$0x792] =	sst s21;
	s21 =	sand.u32 $0x180, s26  }
0x12a: {  	s26 =	sand.u32 $0x1A0, s30;
	[smem:$0x793] =	sst s21  }
0x12b: {  	[smem:$0x794] =	sst s26  }
0x12c: {  	s21 =	sld [smem:$0x788]  }
0x12d: {  	s26 =	sld [smem:$0x789]  }
0x12e: {  	s18 =	sld [smem:$0x792];
	s30 =	sshrl.u32 s31, $0x1  }
0x12f: {  	[smem:$0x7CF] =	sst s30  }
0x130: {  	s20 =	sand.u32 $0x1C0, s21;
	s21 =	sand.u32 $0x1E0, s26;
	s26 =	rddreg [dreg:$0x15]  }
0x131: {  	[smem:$0x796] =	sst s21  }
0x132: {  	s21 =	sadd.s32 s26, s0;
	s26 =	rddreg [dreg:$0x16]  }
0x133: {  	s26 =	sadd.s32 s26, s0;
	s29 =	sld [smem:$0x796]  }
0x134: {  	[smem:$0x797] =	sst s26  }
0x135: {  	s26 =	rddreg [dreg:$0x17]  }
0x136: {  	s23 =	sld [smem:$0x794];
	s26 =	sadd.s32 s26, s0  }
0x137: {  	[smem:$0x798] =	sst s26  }
0x138: {  	s26 =	sadd.s32 s17, s0;
	s17 =	rddreg [dreg:$0x18];
	s29 =	sshrl.u32 s29, $0x1  }
0x139: {  	[smem:$0x79A] =	sst s26;
	s26 =	sadd.s32 s19, s0;
	s19 =	sadd.s32 s14, s0  }
0x13a: {  	s14 =	sadd.s32 s16, s0;
	s16 =	sadd.s32 s8, s0;
	s8 =	sld [smem:$0x78F]  }
0x13b: {  	s5 =	sadd.s32 s17, s0;
	[smem:$0x7D7] =	sst s29  }
0x13c: {  	[smem:$0x79B] =	sst s5  }
0x13d: {  	[smem:$0x79E] =	sst s19  }
0x13e: {  	[smem:$0x7A3] =	sst s14  }
0x13f: {  	s17 =	sadd.s32 s12, s0;
	[smem:$0x7A4] =	sst s16  }
0x140: {  	s12 =	sshrl.u32 s4, $0x1;
	[smem:$0x7A6] =	sst s17  }
0x141: {  	[smem:$0x7BF] =	sst s12  }
0x142: {  	s19 =	sadd.s32 s7, s0;
	s7 =	sld [smem:$0x78E]  }
0x143: {  	s14 =	sshrl.u32 s24, $0x1;
	s24 =	sld [smem:$0x795]  }
0x144: {  	s5 =	sadd.s32 s28, s0;
	s0 =	sadd.s32 s9, s0;
	[smem:$0x7AA] =	sst s19  }
0x145: {  	s17 =	sshrl.u32 s3, $0x1;
	[smem:$0x7AB] =	sst s0  }
0x146: {  	[smem:$0x7BC] =	sst s17  }
0x147: {  	s16 =	sshrl.u32 s6, $0x1;
	[smem:$0x7C3] =	sst s14  }
0x148: {  	s19 =	sshrl.u32 s25, $0x1;
	[smem:$0x7C0] =	sst s16  }
0x149: {  	s25 =	sshrl.u32 s27, $0x1;
	[smem:$0x7BD] =	sst s19;
	s6 =	sshrl.u32 s8, $0x1  }
0x14a: {  	s8 =	sshrl.u32 s10, $0x1;
	s10 =	sshrl.u32 s18, $0x1;
	[smem:$0x7D1] =	sst s25  }
0x14b: {  	s18 =	sshrl.u32 s23, $0x1;
	s23 =	sshrl.u32 s20, $0x1;
	s20 =	sld [smem:$0x797]  }
0x14c: {  	[smem:$0x7C6] =	sst s6  }
0x14d: {  	[smem:$0x7C8] =	sst s8  }
0x14e: {  	s22 =	sand.u32 $0x1E0, s22;
	s9 =	sshrl.u32 s7, $0x1;
	[smem:$0x7CD] =	sst s10  }
0x14f: {  	s7 =	sshrl.u32 s13, $0x1;
	s13 =	sshrl.u32 s22, $0x1;
	s22 =	sld [smem:$0x793]  }
0x150: {  	[smem:$0x7D4] =	sst s18  }
0x151: {  	[smem:$0x7D6] =	sst s23  }
0x152: {  	[smem:$0x7C4] =	sst s9  }
0x153: {  	[smem:$0x7CB] =	sst s7  }
0x154: {  	[smem:$0x7CC] =	sst s13  }
0x155: {  	s31 =	sshrl.u32 s22, $0x1;
	s22 =	rddreg [dreg:$0xf]  }
0x156: {  	[smem:$0x7D2] =	sst s31  }
0x157: {  	s0 =	sadd.s32 s22, s24;
	s24 =	sld [smem:$0x799]  }
0x158: {  	s4 =	sadd.s32 s22, s21;
	s21 =	sld [smem:$0x798]  }
0x159: {  	v8 =	vld.idx.msk [tilespmem:v0+s0+$0x0 ss:$0x1], $0xffff;
	s0 =	sadd.s32 s22, s20;
	s20 =	sld [smem:$0x79B]  }
0x15a: {  	s3 =	sadd.s32 s15, s24;
	s15 =	sld [smem:$0x79A]  }
0x15b: {  	s2 =	sadd.s32 s2, s21;
	s21 =	sld [smem:$0x79C]  }
0x15c: {  	v10 =	vld.idx.msk [tilespmem:v0+s4+$0x0 ss:$0x1], $0xffff;
	s24 =	rddreg [dreg:$0x9]  }
0x15d: {  	v12 =	vld.idx.msk [tilespmem:v0+s2+$0x0 ss:$0x1], $0xffff;
	s2 =	rddreg [dreg:$0xc]  }
0x15e: {  	v13 =	vld.idx.msk [tilespmem:v0+s3+$0x0 ss:$0x1], $0xffff;
	s3 =	sld [smem:$0x79D];
	s4 =	sadd.s32 s17, s15  }
0x15f: {  	s17 =	sadd.s32 s12, s21;
	s12 =	sadd.s32 s16, s26;
	s26 =	rddreg [dreg:$0xd]  }
0x160: {  	s15 =	sadd.s32 s19, s20;
	s20 =	sadd.s32 s24, s5;
	s24 =	rddreg [dreg:$0xe]  }
0x161: {  	s2 =	sadd.s32 s2, s5;
	s16 =	rddreg [dreg:$0xa]  }
0x162: {  	[smem:$0x7B6] =	sst s2  }
0x163: {  	s2 =	rddreg [dreg:$0x11]  }
0x164: {  	s27 =	sadd.s32 s16, s5;
	s16 =	rddreg [dreg:$0xb]  }
0x165: {  	v11 =	vld.idx.msk [tilespmem:v0+s0+$0x0 ss:$0x1], $0xffff;
	s3 =	sadd.s32 s14, s3;
	s14 =	sld [smem:$0x79E]  }
0x166: {  	v14 =	vld.idx.msk [tilespmem:v0+s4+$0x0 ss:$0x1], $0xffff;
	s4 =	sld [smem:$0x7A0]  }
0x167: {  	v15 =	vld.idx.msk [tilespmem:v0+s15+$0x0 ss:$0x1], $0xffff;
	s15 =	sld [smem:$0x7A7]  }
0x168: {  	s19 =	sadd.s32 s22, s5;
	v16 =	vld.idx.msk [tilespmem:v0+s17+$0x0 ss:$0x1], $0xffff;
	s17 =	sld [smem:$0x7A8]  }
0x169: {  	v18 =	vld.idx.msk [tilespmem:v0+s19+$0x0 ss:$0x1], $0xffff;
	s19 =	sld [smem:$0x7AA]  }
0x16a: {  	s21 =	sadd.s32 s24, s5;
	v19 =	vld.idx.msk [tilespmem:v0+s20+$0x0 ss:$0x1], $0xffff;
	s20 =	sld [smem:$0x7B2]  }
0x16b: {  	v2 =	vld.idx.msk [tilespmem:v0+s21+$0x0 ss:$0x1], $0xffff;
	s21 =	sld [smem:$0x7B3]  }
0x16c: {  	s16 =	sadd.s32 s16, s5;
	v7 =	vld.idx.msk [tilespmem:v0+s3+$0x0 ss:$0x1], $0xffff;
	s3 =	rddreg [dreg:$0x19]  }
0x16d: {  	s0 =	sadd.s32 s26, s5;
	s5 =	sadd.s32 s2, s5;
	v4 =	vld.idx.msk [tilespmem:v0+s16+$0x0 ss:$0x1], $0xffff;
	s16 =	sld [smem:$0x7B7]  }
0x16e: {  	v6 =	vld.idx.msk [tilespmem:v0+s5+$0x0 ss:$0x1], $0xffff;
	s5 =	rddreg [dreg:$0x1a]  }
0x16f: {  	s2 =	sadd.s32 s9, s14;
	s14 =	sld [smem:$0x79F]  }
0x170: {  	s9 =	sld [smem:$0x7A3]  }
0x171: {  	[smem:$0x7B8] =	sst s2  }
0x172: {  	s2 =	sadd.s32 s6, s14;
	s6 =	sld [smem:$0x7A1]  }
0x173: {  	s14 =	sld [smem:$0x7A6]  }
0x174: {  	[smem:$0x7BA] =	sst s2  }
0x175: {  	s2 =	sadd.s32 s11, s4;
	s11 =	sld [smem:$0x7A4]  }
0x176: {  	[smem:$0x7BE] =	sst s2  }
0x177: {  	s2 =	sadd.s32 s8, s6;
	s8 =	sld [smem:$0x7A2]  }
0x178: {  	s6 =	rddreg [dreg:$0x17]  }
0x179: {  	[smem:$0x7C1] =	sst s2  }
0x17a: {  	s2 =	sadd.s32 s7, s8;
	s7 =	sld [smem:$0x7AC]  }
0x17b: {  	s8 =	sld [smem:$0x7AD]  }
0x17c: {  	[smem:$0x7C2] =	sst s2  }
0x17d: {  	s2 =	sadd.s32 s13, s9;
	s13 =	sld [smem:$0x7A5]  }
0x17e: {  	[smem:$0x7C5] =	sst s2  }
0x17f: {  	s2 =	sadd.s32 s10, s11;
	s11 =	rddreg [dreg:$0x18]  }
0x180: {  	[smem:$0x7CA] =	sst s2;
	s2 =	sadd.s32 s30, s13  }
0x181: {  	s13 =	sadd.s32 s7, s1;
	s7 =	sadd.s32 s8, s1;
	s8 =	sld [smem:$0x7B6]  }
0x182: {  	s30 =	sadd.s32 s20, s1;
	s20 =	sadd.s32 s21, s1;
	s21 =	rddreg [dreg:$0x1d]  }
0x183: {  	[smem:$0x7CE] =	sst s2  }
0x184: {  	s2 =	sadd.s32 s25, s14;
	s25 =	rddreg [dreg:$0x15]  }
0x185: {  	s14 =	sld [smem:$0x7AE]  }
0x186: {  	v1 =	vld.idx.msk [tilespmem:v0+s0+$0x0 ss:$0x1], $0xffff;
	s0 =	sadd.s32 s21, s1;
	s21 =	sld [smem:$0x7BA]  }
0x187: {  	[smem:$0x7D0] =	sst s2  }
0x188: {  	s2 =	sadd.s32 s31, s15;
	s15 =	sld [smem:$0x7AF]  }
0x189: {  	s10 =	sadd.s32 s25, s1;
	s25 =	sld [smem:$0x7B5]  }
0x18a: {  	[smem:$0x7D5] =	sst s0  }
0x18b: {  	[smem:$0x7D3] =	sst s2  }
0x18c: {  	s2 =	sadd.s32 s18, s17;
	s18 =	sld [smem:$0x7A9]  }
0x18d: {  	s17 =	sld [smem:$0x7B0]  }
0x18e: {  	[smem:$0x7D8] =	sst s2  }
0x18f: {  	s31 =	sadd.s32 s28, s1;
	s2 =	sadd.s32 s23, s19;
	s23 =	sld [smem:$0x7AB]  }
0x190: {  	s24 =	sadd.s32 s24, s31;
	v9 =	vld.idx.msk [tilespmem:v0+s21+$0x0 ss:$0x1], $0xffff;
	s21 =	rddreg [dreg:$0x9]  }
0x191: {  	[dreg:$0x13] =	wrdreg s24  }
0x192: {  	s24 =	sld [smem:$0x7C4]  }
0x193: {  	[smem:$0x7C9] =	sst s2  }
0x194: {  	s28 =	sadd.s32 s15, s1;
	s15 =	rddreg [dreg:$0x1f]  }
0x195: {  	s9 =	sadd.s32 s18, s1;
	s18 =	sld [smem:$0x7B1]  }
0x196: {  	v3 =	vld.idx.msk [tilespmem:v0+s27+$0x0 ss:$0x1], $0xffff;
	s27 =	sadd.s32 s17, s1;
	s17 =	rddreg [dreg:$0x1b]  }
0x197: {  	s4 =	sadd.s32 s29, s23;
	s29 =	rddreg [dreg:$0x16]  }
0x198: {  	s23 =	sld [smem:$0x7B4]  }
0x199: {  	v5 =	vld.idx.msk [tilespmem:v0+s8+$0x0 ss:$0x1], $0xffff;
	s8 =	sadd.s32 s17, s1;
	s9 =	sadd.s32 s22, s9;
	s17 =	sld [smem:$0x7B9]  }
0x19a: {  	v17 =	vld.idx.msk [tilespmem:v0+s12+$0x0 ss:$0x1], $0xffff;
	s12 =	sadd.s32 s29, s1;
	s29 =	sadd.s32 s11, s1;
	s11 =	rddreg [dreg:$0x1e]  }
0x19b: {  	s19 =	sadd.s32 s14, s1;
	s2 =	sadd.s32 s6, s1;
	[tilespmem:s9+$0x0] =	vst v8;
	s9 =	sld [smem:$0x7B8]  }
0x19c: {  	s14 =	sadd.s32 s18, s1;
	s18 =	rddreg [dreg:$0x1c];
	s6 =	sadd.s32 s23, s1  }
0x19d: {  	s23 =	sadd.s32 s15, s1;
	s15 =	sadd.s32 s22, s10;
	s10 =	sld [smem:$0x7BB]  }
0x19e: {  	s2 =	sadd.s32 s17, s2;
	s17 =	sld [smem:$0x7BF]  }
0x19f: {  	v8 =	vld.idx.msk [tilespmem:v0+s9+$0x0 ss:$0x1], $0xffff;
	s9 =	sadd.s32 s22, s12;
	s12 =	sld [smem:$0x7BC]  }
0x1a0: {  	s3 =	sadd.s32 s3, s1;
	s16 =	sadd.s32 s16, s1;
	[tilespmem:s15+$0x0] =	vst v10;
	s15 =	sld [smem:$0x7BE]  }
0x1a1: {  	s25 =	sadd.s32 s25, s1;
	s11 =	sadd.s32 s11, s1;
	[tilespmem:s2+$0x0] =	vst v12;
	s2 =	rddreg [dreg:$0xa]  }
0x1a2: {  	s18 =	sadd.s32 s18, s1;
	s0 =	sadd.s32 s2, s31;
	s2 =	sld [smem:$0x7C6]  }
0x1a3: {  	s1 =	sadd.s32 s5, s1;
	s5 =	sadd.s32 s10, s13;
	s13 =	sld [smem:$0x7BD]  }
0x1a4: {  	[tilespmem:s9+$0x0] =	vst v11;
	s9 =	sadd.s32 s17, s19;
	s19 =	sld [smem:$0x7C0]  }
0x1a5: {  	[dreg:$0x12] =	wrdreg s0  }
0x1a6: {  	s17 =	sld [smem:$0x7C2]  }
0x1a7: {  	s7 =	sadd.s32 s12, s7;
	s12 =	rddreg [dreg:$0xb]  }
0x1a8: {  	v10 =	vld.idx.msk [tilespmem:v0+s15+$0x0 ss:$0x1], $0xffff;
	s15 =	rddreg [dreg:$0xc]  }
0x1a9: {  	[tilespmem:s5+$0x0] =	vst v13;
	s5 =	sld [smem:$0x7C7]  }
0x1aa: {  	[tilespmem:s9+$0x0] =	vst v16;
	s9 =	rddreg [dreg:$0x7]  }
0x1ab: {  	[tilespmem:s7+$0x0] =	vst v14;
	s7 =	sld [smem:$0x7C8]  }
0x1ac: {  	s0 =	sadd.s32 s12, s31;
	s12 =	sld [smem:$0x7CA];
	s10 =	sadd.s32 s13, s29  }
0x1ad: {  	s13 =	sadd.s32 s22, s31;
	s22 =	sadd.s32 s26, s31;
	s26 =	sld [smem:$0x7C1]  }
0x1ae: {  	[dreg:$0x10] =	wrdreg s0  }
0x1af: {  	s28 =	sadd.s32 s19, s28;
	s19 =	rddreg [dreg:$0x11]  }
0x1b0: {  	v12 =	vld.idx.msk [tilespmem:v0+s17+$0x0 ss:$0x1], $0xffff;
	s17 =	sadd.s32 s24, s14;
	s14 =	sld [smem:$0x7CB]  }
0x1b1: {  	s24 =	sadd.s32 s2, s30;
	s2 =	sld [smem:$0x7CF]  }
0x1b2: {  	[dreg:$0x14] =	wrdreg s22  }
0x1b3: {  	s22 =	sld [smem:$0x7C3]  }
0x1b4: {  	[tilespmem:s10+$0x0] =	vst v15;
	s10 =	rddreg [dreg:$0x8]  }
0x1b5: {  	s30 =	sadd.s32 s5, s20;
	s20 =	sld [smem:$0x7CC]  }
0x1b6: {  	s5 =	sld [smem:$0x7D0]  }
0x1b7: {  	[tilespmem:s13+$0x0] =	vst v18;
	s13 =	sld [smem:$0x7D3]  }
0x1b8: {  	s29 =	sadd.s32 s21, s31;
	s21 =	sadd.s32 s15, s31;
	[tilespmem:s28+$0x0] =	vst v17;
	s28 =	sld [smem:$0x7D7]  }
0x1b9: {  	s15 =	sadd.s32 s19, s31;
	s19 =	sadd.s32 s7, s6;
	s7 =	sld [smem:$0x7D1]  }
0x1ba: {  	v11 =	vld.idx.msk [tilespmem:v0+s26+$0x0 ss:$0x1], $0xffff;
	s26 =	sld [smem:$0x7C5]  }
0x1bb: {  	s27 =	sadd.s32 s22, s27;
	s22 =	sld [smem:$0x7CD]  }
0x1bc: {  	s31 =	sadd.s32 s20, s11;
	s11 =	sld [smem:$0x7D2]  }
0x1bd: {  	s20 =	sld [smem:$0x7D5]  }
0x1be: {  	v13 =	vld.idx.msk [tilespmem:v0+s26+$0x0 ss:$0x1], $0xffff;
	s26 =	sadd.s32 s14, s25;
	s25 =	sld [smem:$0x7CE]  }
0x1bf: {  	s14 =	sadd.s32 s2, s16;
	s16 =	sadd.s32 s11, s18;
	s18 =	sld [smem:$0x7D4]  }
.Ltmp3:
0x1c0: {  	v14 =	vld.idx.msk [tilespmem:v0+s12+$0x0 ss:$0x1], $0xffff;
	s22 =	sadd.s32 s22, s23;
	s23 =	sld [smem:$0x7D6];
	(pc) =	sbr.rel @p2 .LBB1_5-.Ltmp3, $4  }
0x1c1: {  	[tilespmem:s29+$0x0] =	vst v19;
	s29 =	sld [smem:$0x7D8];
	v16 =	vld.idx.msk [tilespmem:v0+s5+$0x0 ss:$0x1], $0xffff  }
0x1c2: {  	s6 =	sld [smem:$0x7C9];
	v17 =	vld.idx.msk [tilespmem:v0+s13+$0x0 ss:$0x1], $0xffff;
	s12 =	sadd.s32 s7, s8  }
0x1c3: {  	v15 =	vld.idx.msk [tilespmem:v0+s25+$0x0 ss:$0x1], $0xffff;
	s25 =	rddreg [dreg:$0x6];
	s20 =	sadd.s32 s18, s20;
	s11 =	sadd.s32 s23, s3  }
0x1c4: {  	v18 =	vld.idx.msk [tilespmem:v0+s29+$0x0 ss:$0x1], $0xffff;
	s18 =	sadd.s32 s28, s1;
	s1 =	rddreg [dreg:$0x5];
	s0 =	sadd.s32 $0x100, s25  }
0x1c5: {  	s0 =	rddreg [dreg:$0x14]  }
0x1c6: {  	[tilespmem:s0+$0x0] =	vst v1  }
0x1c7: {  	s0 =	rddreg [dreg:$0x13]  }
0x1c8: {  	[tilespmem:s0+$0x0] =	vst v2  }
0x1c9: {  	s0 =	rddreg [dreg:$0x12]  }
0x1ca: {  	[tilespmem:s0+$0x0] =	vst v3  }
0x1cb: {  	s0 =	rddreg [dreg:$0x10];
	[tilespmem:s21+$0x0] =	vst v5  }
0x1cc: {  	[tilespmem:s15+$0x0] =	vst v6  }
0x1cd: {  	[tilespmem:s27+$0x0] =	vst v7  }
0x1ce: {  	[tilespmem:s17+$0x0] =	vst v8  }
0x1cf: {  	[tilespmem:s24+$0x0] =	vst v9  }
0x1d0: {  	[tilespmem:s30+$0x0] =	vst v10  }
0x1d1: {  	[tilespmem:s19+$0x0] =	vst v11  }
0x1d2: {  	[tilespmem:s26+$0x0] =	vst v12  }
0x1d3: {  	[tilespmem:s31+$0x0] =	vst v13  }
0x1d4: {  	v62 =	vld.idx.msk [tilespmem:v0+s6+$0x0 ss:$0x1], $0xffff;
	[tilespmem:s22+$0x0] =	vst v14  }
0x1d5: {  	v63 =	vld.idx.msk [tilespmem:v0+s4+$0x0 ss:$0x1], $0xffff;
	[tilespmem:s14+$0x0] =	vst v15  }
0x1d6: {  	[tilespmem:s12+$0x0] =	vst v16  }
0x1d7: {  	[tilespmem:s16+$0x0] =	vst v17  }
0x1d8: {  	[tilespmem:s20+$0x0] =	vst v18  }
.Ltmp4:
0x1d9: {  	[tilespmem:s11+$0x0] =	vst v62;
	(pc) =	sbr.rel @p1 .LBB1_4-.Ltmp4, $4  }
0x1da: {  	[tilespmem:s18+$0x0] =	vst v63  }
0x1db: {  	[tilespmem:s0+$0x0] =	vst v4  }
0x1dc: {  	s14 =	rddreg [dreg:$0x2]  }
0x1dd: {  	s28 =	simm.s32 $0x1;
	p2 =	por $0x0, $0x0;
	s26 =	sld [smem:$0x7ED]  }
.Ltmp5:
0x1de: {  	(pc) =	sbr.rel @p0 .LBB1_3-.Ltmp5, $2  }
0x1df: {  	_ =	sdelay $0x2  }
0x1e0: {  	s26 =	simm.s32 $0x2000;
	p1 =	por $0x0, $0x0  }
0x1e1: {  	s0 =	sld [smem:$0x7EF]  }
0x1e2: {  	s1 =	sld [smem:$0x7EE]  }
0x1e3: {  	s2 =	sld [smem:$0x7F8]  }
0x1e4: {  	s28 =	sld [smem:$0x7F1]  }
0x1e5: {  	s3 =	sld [smem:$0x7F0]  }
0x1e6: {  	s31 =	sld [smem:$0x7F7]  }
0x1e7: {  	s6 =	sld [smem:$0x7F9]  }
0x1e8: {  	s7 =	sld [smem:$0x7FA]  }
0x1e9: {  	s8 =	sld [smem:$0x7FB]  }
0x1ea: {  	s9 =	sld [smem:$0x7FC]  }
0x1eb: {  	s10 =	sld [smem:$0x7FD]  }
0x1ec: {  	s11 =	sld [smem:$0x7F5]  }
0x1ed: {  	s12 =	sld [smem:$0x7F4];
	s0 =	smul.u32 $0x54000, s0;
	s1 =	sshll.u32 s1, $0xD  }
.Ltmp6:
0x1ee: {  	s13 =	sld [smem:$0x7F3];
	s1 =	sadd.s32 s2, s1;
	(pc) =	sbr.rel .LBB1_9-.Ltmp6, $4  }
0x1ef: {  	s3 =	sshll.u32 s3, $0x9;
	s2 =	smul.u32 $0x6000, s28;
	s0 =	sadd.s32 s0, s1  }
0x1f0: {  	s29 =	simm.s32 $0x2000;
	s14 =	sld [smem:$0x7F2];
	s0 =	sadd.s32 s3, s0  }
0x1f1: {  	s30 =	simm.s32 $0x30000;
	s5 =	sld [smem:$0x7F6];
	s0 =	sadd.s32 s2, s0  }
0x1f2: {  	[hbm4b:s0+s29] =	stream.strided.scatter [tilespmem:s31], [sflag:$0x2], $0x4000, s30, s29, $0x38;
	[tilespmem:$0x10000] =	vst v63  }
.LBB1_10:
0x1f3: {  	_ =	sfence.sel $0x180000  }
0x1f4: {  	s0 =	simm.s32 $0x1;
	[bflag:$0x0] =	sbarrier.arrive $0xFFFF  }
0x1f5: {  	s30 =	simm.s32 $0x2;
	[sflag:s0] =	ssyncpa.u1 $0x1  }
0x1f6: {  	[sflag:s30] =	ssyncpa.u1 $0x1  }
0x1f7: {  	_ =	strace $0x90000047  }
0x1f8: {  	s31 =	stileid.u32;
	[bflag:$0x2] =	sbarrier.arrive $0xFFFF  }
0x1f9: {  	p0 =	sne.s32 s31, $0x0;
	s0 =	rddreg [dreg:$0x1]  }
0x1fa: {  	s0 =	sadd.s32 @!p0 $0x100000, s0  }
0x1fb: {  	[sflag:s0] =	ssyncadd.tile.s32 @!p0 $0x1;
	_ =	shalt  }
.Lfunc_end1:
_tile_overlayer_lowered:
.L_overlay_start_2:
0x1fc: {  	(tag) =	ssettag $0x2  }
0x1fd: {  	s0 =	rddreg [dreg:$0x0];
	s2 =	stileid.u32  }
0x1fe: {  	s1 =	rddreg [dreg:$0x1];
	p0 =	sne.s32 s2, $0x0  }
0x1ff: {  	s3 =	rddreg [dreg:$0x2];
	[bflag:$0x3] =	sbarrier.arrive $0xFFFF;
	s2 =	simm.s32 @!p0 $0x1C01  }
0x200: {  	[timem:s3], [sflag:s2] =	dma.local @!p0 [hbm:s0], s1  }
0x201: {  	s0 =	simm.s32 @!p0 $0x1  }
0x202: {  	_ =	swait.ge @!p0 [sflag:s0], s1  }
0x203: {  	s1 =	ssub.s32 @!p0 $0x0, s1;
	[sflag:s0] =	ssyncset.done @!p0 $0x0  }
0x204: {  	[sflag:s0] =	ssyncadd.s32 @!p0 s1  }
0x205: {  	[bflag:$0x3] =	sbarrier.arrive $0xFFFF  }
0x206: {  	_ =	shalt  }

</sc_bundles>
